<compile_context>
chip_gen: v7x
topology: tpu7x:2x2x1
jax: 0.10.2.dev20260603
libtpu: 0.0.44.dev20260713+nightly
codegen_flags: <defaults>
</compile_context>

<pallas_src>
import functools

import jax
import jax.numpy as jnp
from jax import lax
from jax.experimental import pallas as pl
from jax.experimental.pallas import tpu as pltpu
from jax.experimental.pallas import tpu_sc as plsc

N_NODES_ = 100000
N_TYPES_ = 64
D_ = 128
BLK_ = 10000

NW_ = 32
CHUNK_ = 400
KMAX_ = 8
N_PAD_ = NW_ * CHUNK_ * KMAX_
NCHUNK_ = N_NODES_ // CHUNK_


def _tc_onehot_body(idx_ref, eye_ref, oh_ref):
    idx = idx_ref[0]
    iota = lax.broadcasted_iota(jnp.int32, (N_TYPES_, BLK_), 0)
    onehot_t = (idx == iota).astype(jnp.float32)
    oh_ref[...] = lax.dot_general(
        onehot_t, eye_ref[...], (((0,), (0,)), ((), ())),
        preferred_element_type=jnp.float32)


def _sc_gather_body(w_hbm, idx_hbm, out_hbm, w_sh, idx_vs, rows_vs, gsem,
                    ssems):
    wid = lax.axis_index("s") * 2 + lax.axis_index("c")

    def chunk_id(k):
        return wid + NW_ * k

    def guarded(k, go):
        if k == KMAX_ - 1:
            pl.when(chunk_id(k) < NCHUNK_)(go)
        else:
            go()

    def store(k, fire):
        def go():
            c = pltpu.make_async_copy(
                rows_vs[k % 2],
                out_hbm.at[pl.ds(chunk_id(k) * CHUNK_, CHUNK_)],
                ssems[k % 2])
            c.start() if fire else c.wait()

        guarded(k, go)

    @pl.when(lax.axis_index("s") == 0)
    def _():
        pltpu.sync_copy(w_hbm, w_sh)

    for k in range(KMAX_):
        guarded(k, lambda k=k: pltpu.sync_copy(
            idx_hbm.at[pl.ds(chunk_id(k) * CHUNK_, CHUNK_)], idx_vs[k]))
    plsc.subcore_barrier()

    for k in range(KMAX_):
        if k >= 2:
            store(k - 2, fire=False)
        guarded(k, lambda k=k: pltpu.async_copy(
            w_sh.at[idx_vs[k]], rows_vs[k % 2], gsem).wait())
        store(k, fire=True)

    store(KMAX_ - 2, fire=False)
    store(KMAX_ - 1, fire=False)


@functools.partial(
    pl.kernel,
    mesh=plsc.VectorSubcoreMesh(core_axis_name="c", subcore_axis_name="s"),
    cost_estimate=pl.CostEstimate(
        flops=0, transcendentals=0, bytes_accessed=103_000_000),
    out_type=jax.ShapeDtypeStruct((N_NODES_, D_), jnp.float32),
    scratch_types=(
        [pltpu.VMEM_SHARED((N_TYPES_, D_), jnp.float32)]
        + [pltpu.VMEM((CHUNK_,), jnp.int32) for _ in range(KMAX_)]
        + [
            pltpu.VMEM((CHUNK_, D_), jnp.float32),
            pltpu.VMEM((CHUNK_, D_), jnp.float32),
            pltpu.SemaphoreType.DMA,
            pltpu.SemaphoreType.DMA,
            pltpu.SemaphoreType.DMA,
        ]
    ),
)
def _sc_gather(w_hbm, idx_hbm, out_hbm, *scratch):
    w_sh = scratch[0]
    idx_vs = list(scratch[1:1 + KMAX_])
    r0, r1, gsem, s0, s1 = scratch[1 + KMAX_:]
    _sc_gather_body(w_hbm, idx_hbm, out_hbm, w_sh, idx_vs, [r0, r1], gsem,
                    [s0, s1])


def kernel(node_atom, W, b):
    idx = node_atom.astype(jnp.int32)
    table = W + b[None, :]

    idx3 = idx.reshape(N_NODES_ // BLK_, 1, BLK_)
    eye = jnp.eye(N_TYPES_, dtype=jnp.float32)
    oh = pl.pallas_call(
        _tc_onehot_body,
        grid=(N_NODES_ // BLK_,),
        in_specs=[
            pl.BlockSpec((1, 1, BLK_), lambda i: (i, 0, 0)),
            pl.BlockSpec((N_TYPES_, N_TYPES_), lambda i: (0, 0)),
        ],
        out_specs=pl.BlockSpec((BLK_, N_TYPES_), lambda i: (i, 0)),
        out_shape=jax.ShapeDtypeStruct((N_NODES_, N_TYPES_), jnp.float32),
    )(idx3, eye)
    emb = _sc_gather(table, idx)
    return (emb, oh, oh)

# --- scband reference (transcript-rebuilt; emitter-appended) ---
"""Pipeline reference for scband-node-embedding-network-54941221650663 (READ-ONLY COPY).

The authoritative reference and input builder live on the scoring server;
editing this copy changes nothing except your own understanding.
"""

import jax, jax.numpy as jnp
import numpy as np

N_NODES = 100000
MAX_ATOM_TYPE = 64
D_EMBED = 128  # '128x0e' -> 128 scalar (l=0, even) channels


def setup_inputs(seed: int = 0) -> dict:
    key = jax.random.key(seed)
    k1, k2, k3 = jax.random.split(key, 3)
    node_atom = jax.random.randint(k1, (N_NODES,), 0, MAX_ATOM_TYPE, dtype=jnp.int64 if jax.config.jax_enable_x64 else jnp.int32)
    # LinearRS weight for scalar irreps: [max_atom_type, d_embed].
    # e3nn path-normalizes by 1/sqrt(fan_in)=1/sqrt(max_atom_type); the module then
    # multiplies weight.data by sqrt(max_atom_type), so the two factors cancel and the
    # effective weight has unit-variance entries. We materialize the effective weight.
    W = jax.random.normal(k2, (MAX_ATOM_TYPE, D_EMBED), dtype=jnp.float32)
    b = jnp.zeros((D_EMBED,), dtype=jnp.float32)
    return {"node_atom": node_atom, "W": W, "b": b}


def reference(node_atom, W, b):
    # torch.nn.functional.one_hot(node_atom, max_atom_type).float()
    node_atom_onehot = jax.nn.one_hot(node_atom, MAX_ATOM_TYPE, dtype=jnp.float32)
    node_attr = node_atom_onehot
    # LinearRS on pure scalar irreps == dense linear layer (with bias).
    # Since input is one-hot, this is mathematically an embedding-table gather:
    # node_embedding[i] = W[node_atom[i]] + b
    node_embedding = node_atom_onehot @ W + b
    return (node_embedding, node_attr, node_atom_onehot)

if __name__ == "__main__":
    import jax
    _d = setup_inputs()
    print(jax.jit(kernel)(*tuple(_d.values())))

</pallas_src>

<mosaic_0001>
#map = affine_map<(d0, d1) -> (0, 0)>
#map1 = affine_map<(d0, d1) -> (0)>
module attributes {stable_mosaic.version = 14 : i64} {
  func.func @_sc_gather(%arg0: i32, %arg1: i32, %arg2: memref<64x128xf32, #tpu.memory_space<hbm>>, %arg3: memref<100000xi32, #tpu.memory_space<hbm>>, %arg4: memref<100000x128xf32, #tpu.memory_space<hbm>>, %arg5: memref<64x128xf32, #tpu.memory_space<vmem_shared>>, %arg6: memref<400xi32, #tpu.memory_space<vmem>>, %arg7: memref<400xi32, #tpu.memory_space<vmem>>, %arg8: memref<400xi32, #tpu.memory_space<vmem>>, %arg9: memref<400xi32, #tpu.memory_space<vmem>>, %arg10: memref<400xi32, #tpu.memory_space<vmem>>, %arg11: memref<400xi32, #tpu.memory_space<vmem>>, %arg12: memref<400xi32, #tpu.memory_space<vmem>>, %arg13: memref<400xi32, #tpu.memory_space<vmem>>, %arg14: memref<400x128xf32, #tpu.memory_space<vmem>>, %arg15: memref<400x128xf32, #tpu.memory_space<vmem>>, %arg16: memref<!tpu.dma_semaphore, #tpu.memory_space<semaphore_mem>>, %arg17: memref<!tpu.dma_semaphore, #tpu.memory_space<semaphore_mem>>, %arg18: memref<!tpu.dma_semaphore, #tpu.memory_space<semaphore_mem>>) attributes {dimension_semantics = [#tpu.dimension_semantics<core_parallel>, #tpu.dimension_semantics<subcore_parallel>], iteration_bounds = array<i64: 2, 16>, scalar_prefetch = 0 : i64, scratch_operands = 14 : i64, tpu.core_type = #tpu.core_type<sc_vector_subcore>, window_params = [{transform_indices = #map}, {transform_indices = #map1}, {transform_indices = #map}]} {
    %mul3A = arith.constant 2 : i32
    %mul3A_0 = arith.muli %arg1, %mul3A : i32
    %add3A = arith.addi %mul3A_0, %arg0 : i32
    %eq3A = arith.constant 0 : i32
    %eq3A_1 = arith.cmpi eq, %arg1, %eq3A : i32
    %convert_element_type3A = arith.extui %eq3A_1 : i1 to i32
    %cond3A = arith.constant 0 : i32
    %cond3A_2 = arith.cmpi ne, %convert_element_type3A, %cond3A : i32
    scf.if %cond3A_2 {
      "tpu.region"() ({
        %run_scoped3A = tpu.sem_alloc : memref<!tpu.dma_semaphore, #tpu.memory_space<semaphore_mem>>
        tpu.enqueue_dma source(%arg2 : memref<64x128xf32, #tpu.memory_space<hbm>>) target(%arg5 : memref<64x128xf32, #tpu.memory_space<vmem_shared>>) target_semaphore(%run_scoped3A : memref<!tpu.dma_semaphore, #tpu.memory_space<semaphore_mem>>)
        tpu.wait_dma2 semaphore(%run_scoped3A : memref<!tpu.dma_semaphore, #tpu.memory_space<semaphore_mem>>) src(%arg2 : memref<64x128xf32, #tpu.memory_space<hbm>>) dst(%arg5 : memref<64x128xf32, #tpu.memory_space<vmem_shared>>)
        tpu.yield
      }) : () -> ()
    } else {
    }
    %add3A_3 = arith.constant 0 : i32
    %add3A_4 = arith.addi %add3A, %add3A_3 : i32
    %mul3A_5 = arith.constant 400 : i32
    %mul3A_6 = arith.muli %add3A_4, %mul3A_5 : i32
    "tpu.region"() ({
      %run_scoped3A = tpu.sem_alloc : memref<!tpu.dma_semaphore, #tpu.memory_space<semaphore_mem>>
      %dma_start3A_210 = tpu.memref_slice %arg3[%mul3A_6] : memref<100000xi32, #tpu.memory_space<hbm>> -> memref<400xi32, #tpu.memory_space<hbm>>
      %dma_start3A_211 = tpu.memref_slice %arg3[%mul3A_6] : memref<100000xi32, #tpu.memory_space<hbm>> -> memref<400xi32, #tpu.memory_space<hbm>>
      tpu.enqueue_dma source(%dma_start3A_211 : memref<400xi32, #tpu.memory_space<hbm>>) target(%arg6 : memref<400xi32, #tpu.memory_space<vmem>>) target_semaphore(%run_scoped3A : memref<!tpu.dma_semaphore, #tpu.memory_space<semaphore_mem>>)
      %dma_wait3A_212 = tpu.memref_slice %arg3[%mul3A_6] : memref<100000xi32, #tpu.memory_space<hbm>> -> memref<400xi32, #tpu.memory_space<hbm>>
      %dma_wait3A_213 = tpu.memref_slice %arg3[%mul3A_6] : memref<100000xi32, #tpu.memory_space<hbm>> -> memref<400xi32, #tpu.memory_space<hbm>>
      tpu.wait_dma2 semaphore(%run_scoped3A : memref<!tpu.dma_semaphore, #tpu.memory_space<semaphore_mem>>) src(%dma_wait3A_213 : memref<400xi32, #tpu.memory_space<hbm>>) dst(%arg6 : memref<400xi32, #tpu.memory_space<vmem>>)
      tpu.yield
    }) : () -> ()
    %add3A_7 = arith.constant 32 : i32
    %add3A_8 = arith.addi %add3A, %add3A_7 : i32
    %mul3A_9 = arith.constant 400 : i32
    %mul3A_10 = arith.muli %add3A_8, %mul3A_9 : i32
    "tpu.region"() ({
      %run_scoped3A = tpu.sem_alloc : memref<!tpu.dma_semaphore, #tpu.memory_space<semaphore_mem>>
      %dma_start3A_210 = tpu.memref_slice %arg3[%mul3A_10] : memref<100000xi32, #tpu.memory_space<hbm>> -> memref<400xi32, #tpu.memory_space<hbm>>
      %dma_start3A_211 = tpu.memref_slice %arg3[%mul3A_10] : memref<100000xi32, #tpu.memory_space<hbm>> -> memref<400xi32, #tpu.memory_space<hbm>>
      tpu.enqueue_dma source(%dma_start3A_211 : memref<400xi32, #tpu.memory_space<hbm>>) target(%arg7 : memref<400xi32, #tpu.memory_space<vmem>>) target_semaphore(%run_scoped3A : memref<!tpu.dma_semaphore, #tpu.memory_space<semaphore_mem>>)
      %dma_wait3A_212 = tpu.memref_slice %arg3[%mul3A_10] : memref<100000xi32, #tpu.memory_space<hbm>> -> memref<400xi32, #tpu.memory_space<hbm>>
      %dma_wait3A_213 = tpu.memref_slice %arg3[%mul3A_10] : memref<100000xi32, #tpu.memory_space<hbm>> -> memref<400xi32, #tpu.memory_space<hbm>>
      tpu.wait_dma2 semaphore(%run_scoped3A : memref<!tpu.dma_semaphore, #tpu.memory_space<semaphore_mem>>) src(%dma_wait3A_213 : memref<400xi32, #tpu.memory_space<hbm>>) dst(%arg7 : memref<400xi32, #tpu.memory_space<vmem>>)
      tpu.yield
    }) : () -> ()
    %add3A_11 = arith.constant 64 : i32
    %add3A_12 = arith.addi %add3A, %add3A_11 : i32
    %mul3A_13 = arith.constant 400 : i32
    %mul3A_14 = arith.muli %add3A_12, %mul3A_13 : i32
    "tpu.region"() ({
      %run_scoped3A = tpu.sem_alloc : memref<!tpu.dma_semaphore, #tpu.memory_space<semaphore_mem>>
      %dma_start3A_210 = tpu.memref_slice %arg3[%mul3A_14] : memref<100000xi32, #tpu.memory_space<hbm>> -> memref<400xi32, #tpu.memory_space<hbm>>
      %dma_start3A_211 = tpu.memref_slice %arg3[%mul3A_14] : memref<100000xi32, #tpu.memory_space<hbm>> -> memref<400xi32, #tpu.memory_space<hbm>>
      tpu.enqueue_dma source(%dma_start3A_211 : memref<400xi32, #tpu.memory_space<hbm>>) target(%arg8 : memref<400xi32, #tpu.memory_space<vmem>>) target_semaphore(%run_scoped3A : memref<!tpu.dma_semaphore, #tpu.memory_space<semaphore_mem>>)
      %dma_wait3A_212 = tpu.memref_slice %arg3[%mul3A_14] : memref<100000xi32, #tpu.memory_space<hbm>> -> memref<400xi32, #tpu.memory_space<hbm>>
      %dma_wait3A_213 = tpu.memref_slice %arg3[%mul3A_14] : memref<100000xi32, #tpu.memory_space<hbm>> -> memref<400xi32, #tpu.memory_space<hbm>>
      tpu.wait_dma2 semaphore(%run_scoped3A : memref<!tpu.dma_semaphore, #tpu.memory_space<semaphore_mem>>) src(%dma_wait3A_213 : memref<400xi32, #tpu.memory_space<hbm>>) dst(%arg8 : memref<400xi32, #tpu.memory_space<vmem>>)
      tpu.yield
    }) : () -> ()
    %add3A_15 = arith.constant 96 : i32
    %add3A_16 = arith.addi %add3A, %add3A_15 : i32
    %mul3A_17 = arith.constant 400 : i32
    %mul3A_18 = arith.muli %add3A_16, %mul3A_17 : i32
    "tpu.region"() ({
      %run_scoped3A = tpu.sem_alloc : memref<!tpu.dma_semaphore, #tpu.memory_space<semaphore_mem>>
      %dma_start3A_210 = tpu.memref_slice %arg3[%mul3A_18] : memref<100000xi32, #tpu.memory_space<hbm>> -> memref<400xi32, #tpu.memory_space<hbm>>
      %dma_start3A_211 = tpu.memref_slice %arg3[%mul3A_18] : memref<100000xi32, #tpu.memory_space<hbm>> -> memref<400xi32, #tpu.memory_space<hbm>>
      tpu.enqueue_dma source(%dma_start3A_211 : memref<400xi32, #tpu.memory_space<hbm>>) target(%arg9 : memref<400xi32, #tpu.memory_space<vmem>>) target_semaphore(%run_scoped3A : memref<!tpu.dma_semaphore, #tpu.memory_space<semaphore_mem>>)
      %dma_wait3A_212 = tpu.memref_slice %arg3[%mul3A_18] : memref<100000xi32, #tpu.memory_space<hbm>> -> memref<400xi32, #tpu.memory_space<hbm>>
      %dma_wait3A_213 = tpu.memref_slice %arg3[%mul3A_18] : memref<100000xi32, #tpu.memory_space<hbm>> -> memref<400xi32, #tpu.memory_space<hbm>>
      tpu.wait_dma2 semaphore(%run_scoped3A : memref<!tpu.dma_semaphore, #tpu.memory_space<semaphore_mem>>) src(%dma_wait3A_213 : memref<400xi32, #tpu.memory_space<hbm>>) dst(%arg9 : memref<400xi32, #tpu.memory_space<vmem>>)
      tpu.yield
    }) : () -> ()
    %add3A_19 = arith.constant 128 : i32
    %add3A_20 = arith.addi %add3A, %add3A_19 : i32
    %mul3A_21 = arith.constant 400 : i32
    %mul3A_22 = arith.muli %add3A_20, %mul3A_21 : i32
    "tpu.region"() ({
      %run_scoped3A = tpu.sem_alloc : memref<!tpu.dma_semaphore, #tpu.memory_space<semaphore_mem>>
      %dma_start3A_210 = tpu.memref_slice %arg3[%mul3A_22] : memref<100000xi32, #tpu.memory_space<hbm>> -> memref<400xi32, #tpu.memory_space<hbm>>
      %dma_start3A_211 = tpu.memref_slice %arg3[%mul3A_22] : memref<100000xi32, #tpu.memory_space<hbm>> -> memref<400xi32, #tpu.memory_space<hbm>>
      tpu.enqueue_dma source(%dma_start3A_211 : memref<400xi32, #tpu.memory_space<hbm>>) target(%arg10 : memref<400xi32, #tpu.memory_space<vmem>>) target_semaphore(%run_scoped3A : memref<!tpu.dma_semaphore, #tpu.memory_space<semaphore_mem>>)
      %dma_wait3A_212 = tpu.memref_slice %arg3[%mul3A_22] : memref<100000xi32, #tpu.memory_space<hbm>> -> memref<400xi32, #tpu.memory_space<hbm>>
      %dma_wait3A_213 = tpu.memref_slice %arg3[%mul3A_22] : memref<100000xi32, #tpu.memory_space<hbm>> -> memref<400xi32, #tpu.memory_space<hbm>>
      tpu.wait_dma2 semaphore(%run_scoped3A : memref<!tpu.dma_semaphore, #tpu.memory_space<semaphore_mem>>) src(%dma_wait3A_213 : memref<400xi32, #tpu.memory_space<hbm>>) dst(%arg10 : memref<400xi32, #tpu.memory_space<vmem>>)
      tpu.yield
    }) : () -> ()
    %add3A_23 = arith.constant 160 : i32
    %add3A_24 = arith.addi %add3A, %add3A_23 : i32
    %mul3A_25 = arith.constant 400 : i32
    %mul3A_26 = arith.muli %add3A_24, %mul3A_25 : i32
    "tpu.region"() ({
      %run_scoped3A = tpu.sem_alloc : memref<!tpu.dma_semaphore, #tpu.memory_space<semaphore_mem>>
      %dma_start3A_210 = tpu.memref_slice %arg3[%mul3A_26] : memref<100000xi32, #tpu.memory_space<hbm>> -> memref<400xi32, #tpu.memory_space<hbm>>
      %dma_start3A_211 = tpu.memref_slice %arg3[%mul3A_26] : memref<100000xi32, #tpu.memory_space<hbm>> -> memref<400xi32, #tpu.memory_space<hbm>>
      tpu.enqueue_dma source(%dma_start3A_211 : memref<400xi32, #tpu.memory_space<hbm>>) target(%arg11 : memref<400xi32, #tpu.memory_space<vmem>>) target_semaphore(%run_scoped3A : memref<!tpu.dma_semaphore, #tpu.memory_space<semaphore_mem>>)
      %dma_wait3A_212 = tpu.memref_slice %arg3[%mul3A_26] : memref<100000xi32, #tpu.memory_space<hbm>> -> memref<400xi32, #tpu.memory_space<hbm>>
      %dma_wait3A_213 = tpu.memref_slice %arg3[%mul3A_26] : memref<100000xi32, #tpu.memory_space<hbm>> -> memref<400xi32, #tpu.memory_space<hbm>>
      tpu.wait_dma2 semaphore(%run_scoped3A : memref<!tpu.dma_semaphore, #tpu.memory_space<semaphore_mem>>) src(%dma_wait3A_213 : memref<400xi32, #tpu.memory_space<hbm>>) dst(%arg11 : memref<400xi32, #tpu.memory_space<vmem>>)
      tpu.yield
    }) : () -> ()
    %add3A_27 = arith.constant 192 : i32
    %add3A_28 = arith.addi %add3A, %add3A_27 : i32
    %mul3A_29 = arith.constant 400 : i32
    %mul3A_30 = arith.muli %add3A_28, %mul3A_29 : i32
    "tpu.region"() ({
      %run_scoped3A = tpu.sem_alloc : memref<!tpu.dma_semaphore, #tpu.memory_space<semaphore_mem>>
      %dma_start3A_210 = tpu.memref_slice %arg3[%mul3A_30] : memref<100000xi32, #tpu.memory_space<hbm>> -> memref<400xi32, #tpu.memory_space<hbm>>
      %dma_start3A_211 = tpu.memref_slice %arg3[%mul3A_30] : memref<100000xi32, #tpu.memory_space<hbm>> -> memref<400xi32, #tpu.memory_space<hbm>>
      tpu.enqueue_dma source(%dma_start3A_211 : memref<400xi32, #tpu.memory_space<hbm>>) target(%arg12 : memref<400xi32, #tpu.memory_space<vmem>>) target_semaphore(%run_scoped3A : memref<!tpu.dma_semaphore, #tpu.memory_space<semaphore_mem>>)
      %dma_wait3A_212 = tpu.memref_slice %arg3[%mul3A_30] : memref<100000xi32, #tpu.memory_space<hbm>> -> memref<400xi32, #tpu.memory_space<hbm>>
      %dma_wait3A_213 = tpu.memref_slice %arg3[%mul3A_30] : memref<100000xi32, #tpu.memory_space<hbm>> -> memref<400xi32, #tpu.memory_space<hbm>>
      tpu.wait_dma2 semaphore(%run_scoped3A : memref<!tpu.dma_semaphore, #tpu.memory_space<semaphore_mem>>) src(%dma_wait3A_213 : memref<400xi32, #tpu.memory_space<hbm>>) dst(%arg12 : memref<400xi32, #tpu.memory_space<vmem>>)
      tpu.yield
    }) : () -> ()
    %add3A_31 = arith.constant 224 : i32
    %add3A_32 = arith.addi %add3A, %add3A_31 : i32
    %lt3A = arith.constant 250 : i32
    %lt3A_33 = arith.cmpi slt, %add3A_32, %lt3A : i32
    %convert_element_type3A_34 = arith.extui %lt3A_33 : i1 to i32
    %cond3A_35 = arith.constant 0 : i32
    %cond3A_36 = arith.cmpi ne, %convert_element_type3A_34, %cond3A_35 : i32
    scf.if %cond3A_36 {
      %add3A_210 = arith.constant 224 : i32
      %add3A_211 = arith.addi %add3A, %add3A_210 : i32
      %mul3A_212 = arith.constant 400 : i32
      %mul3A_213 = arith.muli %add3A_211, %mul3A_212 : i32
      "tpu.region"() ({
        %run_scoped3A = tpu.sem_alloc : memref<!tpu.dma_semaphore, #tpu.memory_space<semaphore_mem>>
        %dma_start3A_214 = tpu.memref_slice %arg3[%mul3A_213] : memref<100000xi32, #tpu.memory_space<hbm>> -> memref<400xi32, #tpu.memory_space<hbm>>
        %dma_start3A_215 = tpu.memref_slice %arg3[%mul3A_213] : memref<100000xi32, #tpu.memory_space<hbm>> -> memref<400xi32, #tpu.memory_space<hbm>>
        tpu.enqueue_dma source(%dma_start3A_215 : memref<400xi32, #tpu.memory_space<hbm>>) target(%arg13 : memref<400xi32, #tpu.memory_space<vmem>>) target_semaphore(%run_scoped3A : memref<!tpu.dma_semaphore, #tpu.memory_space<semaphore_mem>>)
        %dma_wait3A_216 = tpu.memref_slice %arg3[%mul3A_213] : memref<100000xi32, #tpu.memory_space<hbm>> -> memref<400xi32, #tpu.memory_space<hbm>>
        %dma_wait3A_217 = tpu.memref_slice %arg3[%mul3A_213] : memref<100000xi32, #tpu.memory_space<hbm>> -> memref<400xi32, #tpu.memory_space<hbm>>
        tpu.wait_dma2 semaphore(%run_scoped3A : memref<!tpu.dma_semaphore, #tpu.memory_space<semaphore_mem>>) src(%dma_wait3A_217 : memref<400xi32, #tpu.memory_space<hbm>>) dst(%arg13 : memref<400xi32, #tpu.memory_space<vmem>>)
        tpu.yield
      }) : () -> ()
    } else {
    }
    %barrier3A = arith.constant 0 : index
    tpu.barrier barrier_id(%barrier3A)
    %dma_start3A = arith.constant 0 : i32
    %dma_start3A_37 = arith.constant 0 : i32
    %dma_start3A_38 = tpu.memref_slice %arg5[%dma_start3A, %dma_start3A_37] : memref<64x128xf32, #tpu.memory_space<vmem_shared>> -> memref<64x128xf32, #tpu.memory_space<vmem_shared>>
    tpu.enqueue_indirect_dma source(%dma_start3A_38 : memref<64x128xf32, #tpu.memory_space<vmem_shared>>) target(%arg14 : memref<400x128xf32, #tpu.memory_space<vmem>>) offsets(%arg6 : memref<400xi32, #tpu.memory_space<vmem>>) semaphore(%arg16 : memref<!tpu.dma_semaphore, #tpu.memory_space<semaphore_mem>>)
    %dma_wait3A = arith.constant 0 : i32
    %dma_wait3A_39 = arith.constant 0 : i32
    %dma_wait3A_40 = tpu.memref_slice %arg5[%dma_wait3A, %dma_wait3A_39] : memref<64x128xf32, #tpu.memory_space<vmem_shared>> -> memref<64x128xf32, #tpu.memory_space<vmem_shared>>
    tpu.wait_indirect_dma semaphore(%arg16 : memref<!tpu.dma_semaphore, #tpu.memory_space<semaphore_mem>>) src(%dma_wait3A_40 : memref<64x128xf32, #tpu.memory_space<vmem_shared>>) dst(%arg14 : memref<400x128xf32, #tpu.memory_space<vmem>>)
    %add3A_41 = arith.constant 0 : i32
    %add3A_42 = arith.addi %add3A, %add3A_41 : i32
    %mul3A_43 = arith.constant 400 : i32
    %mul3A_44 = arith.muli %add3A_42, %mul3A_43 : i32
    %dma_start3A_45 = arith.constant 0 : i32
    %dma_start3A_46 = tpu.memref_slice %arg4[%mul3A_44, %dma_start3A_45] : memref<100000x128xf32, #tpu.memory_space<hbm>> -> memref<400x128xf32, #tpu.memory_space<hbm>>
    %dma_start3A_47 = arith.constant 0 : i32
    %dma_start3A_48 = tpu.memref_slice %arg4[%mul3A_44, %dma_start3A_47] : memref<100000x128xf32, #tpu.memory_space<hbm>> -> memref<400x128xf32, #tpu.memory_space<hbm>>
    tpu.enqueue_dma source(%arg14 : memref<400x128xf32, #tpu.memory_space<vmem>>) target(%dma_start3A_48 : memref<400x128xf32, #tpu.memory_space<hbm>>) target_semaphore(%arg17 : memref<!tpu.dma_semaphore, #tpu.memory_space<semaphore_mem>>)
    %dma_start3A_49 = arith.constant 0 : i32
    %dma_start3A_50 = arith.constant 0 : i32
    %dma_start3A_51 = tpu.memref_slice %arg5[%dma_start3A_49, %dma_start3A_50] : memref<64x128xf32, #tpu.memory_space<vmem_shared>> -> memref<64x128xf32, #tpu.memory_space<vmem_shared>>
    tpu.enqueue_indirect_dma source(%dma_start3A_51 : memref<64x128xf32, #tpu.memory_space<vmem_shared>>) target(%arg15 : memref<400x128xf32, #tpu.memory_space<vmem>>) offsets(%arg7 : memref<400xi32, #tpu.memory_space<vmem>>) semaphore(%arg16 : memref<!tpu.dma_semaphore, #tpu.memory_space<semaphore_mem>>)
    %dma_wait3A_52 = arith.constant 0 : i32
    %dma_wait3A_53 = arith.constant 0 : i32
    %dma_wait3A_54 = tpu.memref_slice %arg5[%dma_wait3A_52, %dma_wait3A_53] : memref<64x128xf32, #tpu.memory_space<vmem_shared>> -> memref<64x128xf32, #tpu.memory_space<vmem_shared>>
    tpu.wait_indirect_dma semaphore(%arg16 : memref<!tpu.dma_semaphore, #tpu.memory_space<semaphore_mem>>) src(%dma_wait3A_54 : memref<64x128xf32, #tpu.memory_space<vmem_shared>>) dst(%arg15 : memref<400x128xf32, #tpu.memory_space<vmem>>)
    %add3A_55 = arith.constant 32 : i32
    %add3A_56 = arith.addi %add3A, %add3A_55 : i32
    %mul3A_57 = arith.constant 400 : i32
    %mul3A_58 = arith.muli %add3A_56, %mul3A_57 : i32
    %dma_start3A_59 = arith.constant 0 : i32
    %dma_start3A_60 = tpu.memref_slice %arg4[%mul3A_58, %dma_start3A_59] : memref<100000x128xf32, #tpu.memory_space<hbm>> -> memref<400x128xf32, #tpu.memory_space<hbm>>
    %dma_start3A_61 = arith.constant 0 : i32
    %dma_start3A_62 = tpu.memref_slice %arg4[%mul3A_58, %dma_start3A_61] : memref<100000x128xf32, #tpu.memory_space<hbm>> -> memref<400x128xf32, #tpu.memory_space<hbm>>
    tpu.enqueue_dma source(%arg15 : memref<400x128xf32, #tpu.memory_space<vmem>>) target(%dma_start3A_62 : memref<400x128xf32, #tpu.memory_space<hbm>>) target_semaphore(%arg18 : memref<!tpu.dma_semaphore, #tpu.memory_space<semaphore_mem>>)
    %add3A_63 = arith.constant 0 : i32
    %add3A_64 = arith.addi %add3A, %add3A_63 : i32
    %mul3A_65 = arith.constant 400 : i32
    %mul3A_66 = arith.muli %add3A_64, %mul3A_65 : i32
    %dma_wait3A_67 = arith.constant 0 : i32
    %dma_wait3A_68 = tpu.memref_slice %arg4[%mul3A_66, %dma_wait3A_67] : memref<100000x128xf32, #tpu.memory_space<hbm>> -> memref<400x128xf32, #tpu.memory_space<hbm>>
    %dma_wait3A_69 = arith.constant 0 : i32
    %dma_wait3A_70 = tpu.memref_slice %arg4[%mul3A_66, %dma_wait3A_69] : memref<100000x128xf32, #tpu.memory_space<hbm>> -> memref<400x128xf32, #tpu.memory_space<hbm>>
    tpu.wait_dma2 semaphore(%arg17 : memref<!tpu.dma_semaphore, #tpu.memory_space<semaphore_mem>>) src(%arg14 : memref<400x128xf32, #tpu.memory_space<vmem>>) dst(%dma_wait3A_70 : memref<400x128xf32, #tpu.memory_space<hbm>>)
    %dma_start3A_71 = arith.constant 0 : i32
    %dma_start3A_72 = arith.constant 0 : i32
    %dma_start3A_73 = tpu.memref_slice %arg5[%dma_start3A_71, %dma_start3A_72] : memref<64x128xf32, #tpu.memory_space<vmem_shared>> -> memref<64x128xf32, #tpu.memory_space<vmem_shared>>
    tpu.enqueue_indirect_dma source(%dma_start3A_73 : memref<64x128xf32, #tpu.memory_space<vmem_shared>>) target(%arg14 : memref<400x128xf32, #tpu.memory_space<vmem>>) offsets(%arg8 : memref<400xi32, #tpu.memory_space<vmem>>) semaphore(%arg16 : memref<!tpu.dma_semaphore, #tpu.memory_space<semaphore_mem>>)
    %dma_wait3A_74 = arith.constant 0 : i32
    %dma_wait3A_75 = arith.constant 0 : i32
    %dma_wait3A_76 = tpu.memref_slice %arg5[%dma_wait3A_74, %dma_wait3A_75] : memref<64x128xf32, #tpu.memory_space<vmem_shared>> -> memref<64x128xf32, #tpu.memory_space<vmem_shared>>
    tpu.wait_indirect_dma semaphore(%arg16 : memref<!tpu.dma_semaphore, #tpu.memory_space<semaphore_mem>>) src(%dma_wait3A_76 : memref<64x128xf32, #tpu.memory_space<vmem_shared>>) dst(%arg14 : memref<400x128xf32, #tpu.memory_space<vmem>>)
    %add3A_77 = arith.constant 64 : i32
    %add3A_78 = arith.addi %add3A, %add3A_77 : i32
    %mul3A_79 = arith.constant 400 : i32
    %mul3A_80 = arith.muli %add3A_78, %mul3A_79 : i32
    %dma_start3A_81 = arith.constant 0 : i32
    %dma_start3A_82 = tpu.memref_slice %arg4[%mul3A_80, %dma_start3A_81] : memref<100000x128xf32, #tpu.memory_space<hbm>> -> memref<400x128xf32, #tpu.memory_space<hbm>>
    %dma_start3A_83 = arith.constant 0 : i32
    %dma_start3A_84 = tpu.memref_slice %arg4[%mul3A_80, %dma_start3A_83] : memref<100000x128xf32, #tpu.memory_space<hbm>> -> memref<400x128xf32, #tpu.memory_space<hbm>>
    tpu.enqueue_dma source(%arg14 : memref<400x128xf32, #tpu.memory_space<vmem>>) target(%dma_start3A_84 : memref<400x128xf32, #tpu.memory_space<hbm>>) target_semaphore(%arg17 : memref<!tpu.dma_semaphore, #tpu.memory_space<semaphore_mem>>)
    %add3A_85 = arith.constant 32 : i32
    %add3A_86 = arith.addi %add3A, %add3A_85 : i32
    %mul3A_87 = arith.constant 400 : i32
    %mul3A_88 = arith.muli %add3A_86, %mul3A_87 : i32
    %dma_wait3A_89 = arith.constant 0 : i32
    %dma_wait3A_90 = tpu.memref_slice %arg4[%mul3A_88, %dma_wait3A_89] : memref<100000x128xf32, #tpu.memory_space<hbm>> -> memref<400x128xf32, #tpu.memory_space<hbm>>
    %dma_wait3A_91 = arith.constant 0 : i32
    %dma_wait3A_92 = tpu.memref_slice %arg4[%mul3A_88, %dma_wait3A_91] : memref<100000x128xf32, #tpu.memory_space<hbm>> -> memref<400x128xf32, #tpu.memory_space<hbm>>
    tpu.wait_dma2 semaphore(%arg18 : memref<!tpu.dma_semaphore, #tpu.memory_space<semaphore_mem>>) src(%arg15 : memref<400x128xf32, #tpu.memory_space<vmem>>) dst(%dma_wait3A_92 : memref<400x128xf32, #tpu.memory_space<hbm>>)
    %dma_start3A_93 = arith.constant 0 : i32
    %dma_start3A_94 = arith.constant 0 : i32
    %dma_start3A_95 = tpu.memref_slice %arg5[%dma_start3A_93, %dma_start3A_94] : memref<64x128xf32, #tpu.memory_space<vmem_shared>> -> memref<64x128xf32, #tpu.memory_space<vmem_shared>>
    tpu.enqueue_indirect_dma source(%dma_start3A_95 : memref<64x128xf32, #tpu.memory_space<vmem_shared>>) target(%arg15 : memref<400x128xf32, #tpu.memory_space<vmem>>) offsets(%arg9 : memref<400xi32, #tpu.memory_space<vmem>>) semaphore(%arg16 : memref<!tpu.dma_semaphore, #tpu.memory_space<semaphore_mem>>)
    %dma_wait3A_96 = arith.constant 0 : i32
    %dma_wait3A_97 = arith.constant 0 : i32
    %dma_wait3A_98 = tpu.memref_slice %arg5[%dma_wait3A_96, %dma_wait3A_97] : memref<64x128xf32, #tpu.memory_space<vmem_shared>> -> memref<64x128xf32, #tpu.memory_space<vmem_shared>>
    tpu.wait_indirect_dma semaphore(%arg16 : memref<!tpu.dma_semaphore, #tpu.memory_space<semaphore_mem>>) src(%dma_wait3A_98 : memref<64x128xf32, #tpu.memory_space<vmem_shared>>) dst(%arg15 : memref<400x128xf32, #tpu.memory_space<vmem>>)
    %add3A_99 = arith.constant 96 : i32
    %add3A_100 = arith.addi %add3A, %add3A_99 : i32
    %mul3A_101 = arith.constant 400 : i32
    %mul3A_102 = arith.muli %add3A_100, %mul3A_101 : i32
    %dma_start3A_103 = arith.constant 0 : i32
    %dma_start3A_104 = tpu.memref_slice %arg4[%mul3A_102, %dma_start3A_103] : memref<100000x128xf32, #tpu.memory_space<hbm>> -> memref<400x128xf32, #tpu.memory_space<hbm>>
    %dma_start3A_105 = arith.constant 0 : i32
    %dma_start3A_106 = tpu.memref_slice %arg4[%mul3A_102, %dma_start3A_105] : memref<100000x128xf32, #tpu.memory_space<hbm>> -> memref<400x128xf32, #tpu.memory_space<hbm>>
    tpu.enqueue_dma source(%arg15 : memref<400x128xf32, #tpu.memory_space<vmem>>) target(%dma_start3A_106 : memref<400x128xf32, #tpu.memory_space<hbm>>) target_semaphore(%arg18 : memref<!tpu.dma_semaphore, #tpu.memory_space<semaphore_mem>>)
    %add3A_107 = arith.constant 64 : i32
    %add3A_108 = arith.addi %add3A, %add3A_107 : i32
    %mul3A_109 = arith.constant 400 : i32
    %mul3A_110 = arith.muli %add3A_108, %mul3A_109 : i32
    %dma_wait3A_111 = arith.constant 0 : i32
    %dma_wait3A_112 = tpu.memref_slice %arg4[%mul3A_110, %dma_wait3A_111] : memref<100000x128xf32, #tpu.memory_space<hbm>> -> memref<400x128xf32, #tpu.memory_space<hbm>>
    %dma_wait3A_113 = arith.constant 0 : i32
    %dma_wait3A_114 = tpu.memref_slice %arg4[%mul3A_110, %dma_wait3A_113] : memref<100000x128xf32, #tpu.memory_space<hbm>> -> memref<400x128xf32, #tpu.memory_space<hbm>>
    tpu.wait_dma2 semaphore(%arg17 : memref<!tpu.dma_semaphore, #tpu.memory_space<semaphore_mem>>) src(%arg14 : memref<400x128xf32, #tpu.memory_space<vmem>>) dst(%dma_wait3A_114 : memref<400x128xf32, #tpu.memory_space<hbm>>)
    %dma_start3A_115 = arith.constant 0 : i32
    %dma_start3A_116 = arith.constant 0 : i32
    %dma_start3A_117 = tpu.memref_slice %arg5[%dma_start3A_115, %dma_start3A_116] : memref<64x128xf32, #tpu.memory_space<vmem_shared>> -> memref<64x128xf32, #tpu.memory_space<vmem_shared>>
    tpu.enqueue_indirect_dma source(%dma_start3A_117 : memref<64x128xf32, #tpu.memory_space<vmem_shared>>) target(%arg14 : memref<400x128xf32, #tpu.memory_space<vmem>>) offsets(%arg10 : memref<400xi32, #tpu.memory_space<vmem>>) semaphore(%arg16 : memref<!tpu.dma_semaphore, #tpu.memory_space<semaphore_mem>>)
    %dma_wait3A_118 = arith.constant 0 : i32
    %dma_wait3A_119 = arith.constant 0 : i32
    %dma_wait3A_120 = tpu.memref_slice %arg5[%dma_wait3A_118, %dma_wait3A_119] : memref<64x128xf32, #tpu.memory_space<vmem_shared>> -> memref<64x128xf32, #tpu.memory_space<vmem_shared>>
    tpu.wait_indirect_dma semaphore(%arg16 : memref<!tpu.dma_semaphore, #tpu.memory_space<semaphore_mem>>) src(%dma_wait3A_120 : memref<64x128xf32, #tpu.memory_space<vmem_shared>>) dst(%arg14 : memref<400x128xf32, #tpu.memory_space<vmem>>)
    %add3A_121 = arith.constant 128 : i32
    %add3A_122 = arith.addi %add3A, %add3A_121 : i32
    %mul3A_123 = arith.constant 400 : i32
    %mul3A_124 = arith.muli %add3A_122, %mul3A_123 : i32
    %dma_start3A_125 = arith.constant 0 : i32
    %dma_start3A_126 = tpu.memref_slice %arg4[%mul3A_124, %dma_start3A_125] : memref<100000x128xf32, #tpu.memory_space<hbm>> -> memref<400x128xf32, #tpu.memory_space<hbm>>
    %dma_start3A_127 = arith.constant 0 : i32
    %dma_start3A_128 = tpu.memref_slice %arg4[%mul3A_124, %dma_start3A_127] : memref<100000x128xf32, #tpu.memory_space<hbm>> -> memref<400x128xf32, #tpu.memory_space<hbm>>
    tpu.enqueue_dma source(%arg14 : memref<400x128xf32, #tpu.memory_space<vmem>>) target(%dma_start3A_128 : memref<400x128xf32, #tpu.memory_space<hbm>>) target_semaphore(%arg17 : memref<!tpu.dma_semaphore, #tpu.memory_space<semaphore_mem>>)
    %add3A_129 = arith.constant 96 : i32
    %add3A_130 = arith.addi %add3A, %add3A_129 : i32
    %mul3A_131 = arith.constant 400 : i32
    %mul3A_132 = arith.muli %add3A_130, %mul3A_131 : i32
    %dma_wait3A_133 = arith.constant 0 : i32
    %dma_wait3A_134 = tpu.memref_slice %arg4[%mul3A_132, %dma_wait3A_133] : memref<100000x128xf32, #tpu.memory_space<hbm>> -> memref<400x128xf32, #tpu.memory_space<hbm>>
    %dma_wait3A_135 = arith.constant 0 : i32
    %dma_wait3A_136 = tpu.memref_slice %arg4[%mul3A_132, %dma_wait3A_135] : memref<100000x128xf32, #tpu.memory_space<hbm>> -> memref<400x128xf32, #tpu.memory_space<hbm>>
    tpu.wait_dma2 semaphore(%arg18 : memref<!tpu.dma_semaphore, #tpu.memory_space<semaphore_mem>>) src(%arg15 : memref<400x128xf32, #tpu.memory_space<vmem>>) dst(%dma_wait3A_136 : memref<400x128xf32, #tpu.memory_space<hbm>>)
    %dma_start3A_137 = arith.constant 0 : i32
    %dma_start3A_138 = arith.constant 0 : i32
    %dma_start3A_139 = tpu.memref_slice %arg5[%dma_start3A_137, %dma_start3A_138] : memref<64x128xf32, #tpu.memory_space<vmem_shared>> -> memref<64x128xf32, #tpu.memory_space<vmem_shared>>
    tpu.enqueue_indirect_dma source(%dma_start3A_139 : memref<64x128xf32, #tpu.memory_space<vmem_shared>>) target(%arg15 : memref<400x128xf32, #tpu.memory_space<vmem>>) offsets(%arg11 : memref<400xi32, #tpu.memory_space<vmem>>) semaphore(%arg16 : memref<!tpu.dma_semaphore, #tpu.memory_space<semaphore_mem>>)
    %dma_wait3A_140 = arith.constant 0 : i32
    %dma_wait3A_141 = arith.constant 0 : i32
    %dma_wait3A_142 = tpu.memref_slice %arg5[%dma_wait3A_140, %dma_wait3A_141] : memref<64x128xf32, #tpu.memory_space<vmem_shared>> -> memref<64x128xf32, #tpu.memory_space<vmem_shared>>
    tpu.wait_indirect_dma semaphore(%arg16 : memref<!tpu.dma_semaphore, #tpu.memory_space<semaphore_mem>>) src(%dma_wait3A_142 : memref<64x128xf32, #tpu.memory_space<vmem_shared>>) dst(%arg15 : memref<400x128xf32, #tpu.memory_space<vmem>>)
    %add3A_143 = arith.constant 160 : i32
    %add3A_144 = arith.addi %add3A, %add3A_143 : i32
    %mul3A_145 = arith.constant 400 : i32
    %mul3A_146 = arith.muli %add3A_144, %mul3A_145 : i32
    %dma_start3A_147 = arith.constant 0 : i32
    %dma_start3A_148 = tpu.memref_slice %arg4[%mul3A_146, %dma_start3A_147] : memref<100000x128xf32, #tpu.memory_space<hbm>> -> memref<400x128xf32, #tpu.memory_space<hbm>>
    %dma_start3A_149 = arith.constant 0 : i32
    %dma_start3A_150 = tpu.memref_slice %arg4[%mul3A_146, %dma_start3A_149] : memref<100000x128xf32, #tpu.memory_space<hbm>> -> memref<400x128xf32, #tpu.memory_space<hbm>>
    tpu.enqueue_dma source(%arg15 : memref<400x128xf32, #tpu.memory_space<vmem>>) target(%dma_start3A_150 : memref<400x128xf32, #tpu.memory_space<hbm>>) target_semaphore(%arg18 : memref<!tpu.dma_semaphore, #tpu.memory_space<semaphore_mem>>)
    %add3A_151 = arith.constant 128 : i32
    %add3A_152 = arith.addi %add3A, %add3A_151 : i32
    %mul3A_153 = arith.constant 400 : i32
    %mul3A_154 = arith.muli %add3A_152, %mul3A_153 : i32
    %dma_wait3A_155 = arith.constant 0 : i32
    %dma_wait3A_156 = tpu.memref_slice %arg4[%mul3A_154, %dma_wait3A_155] : memref<100000x128xf32, #tpu.memory_space<hbm>> -> memref<400x128xf32, #tpu.memory_space<hbm>>
    %dma_wait3A_157 = arith.constant 0 : i32
    %dma_wait3A_158 = tpu.memref_slice %arg4[%mul3A_154, %dma_wait3A_157] : memref<100000x128xf32, #tpu.memory_space<hbm>> -> memref<400x128xf32, #tpu.memory_space<hbm>>
    tpu.wait_dma2 semaphore(%arg17 : memref<!tpu.dma_semaphore, #tpu.memory_space<semaphore_mem>>) src(%arg14 : memref<400x128xf32, #tpu.memory_space<vmem>>) dst(%dma_wait3A_158 : memref<400x128xf32, #tpu.memory_space<hbm>>)
    %dma_start3A_159 = arith.constant 0 : i32
    %dma_start3A_160 = arith.constant 0 : i32
    %dma_start3A_161 = tpu.memref_slice %arg5[%dma_start3A_159, %dma_start3A_160] : memref<64x128xf32, #tpu.memory_space<vmem_shared>> -> memref<64x128xf32, #tpu.memory_space<vmem_shared>>
    tpu.enqueue_indirect_dma source(%dma_start3A_161 : memref<64x128xf32, #tpu.memory_space<vmem_shared>>) target(%arg14 : memref<400x128xf32, #tpu.memory_space<vmem>>) offsets(%arg12 : memref<400xi32, #tpu.memory_space<vmem>>) semaphore(%arg16 : memref<!tpu.dma_semaphore, #tpu.memory_space<semaphore_mem>>)
    %dma_wait3A_162 = arith.constant 0 : i32
    %dma_wait3A_163 = arith.constant 0 : i32
    %dma_wait3A_164 = tpu.memref_slice %arg5[%dma_wait3A_162, %dma_wait3A_163] : memref<64x128xf32, #tpu.memory_space<vmem_shared>> -> memref<64x128xf32, #tpu.memory_space<vmem_shared>>
    tpu.wait_indirect_dma semaphore(%arg16 : memref<!tpu.dma_semaphore, #tpu.memory_space<semaphore_mem>>) src(%dma_wait3A_164 : memref<64x128xf32, #tpu.memory_space<vmem_shared>>) dst(%arg14 : memref<400x128xf32, #tpu.memory_space<vmem>>)
    %add3A_165 = arith.constant 192 : i32
    %add3A_166 = arith.addi %add3A, %add3A_165 : i32
    %mul3A_167 = arith.constant 400 : i32
    %mul3A_168 = arith.muli %add3A_166, %mul3A_167 : i32
    %dma_start3A_169 = arith.constant 0 : i32
    %dma_start3A_170 = tpu.memref_slice %arg4[%mul3A_168, %dma_start3A_169] : memref<100000x128xf32, #tpu.memory_space<hbm>> -> memref<400x128xf32, #tpu.memory_space<hbm>>
    %dma_start3A_171 = arith.constant 0 : i32
    %dma_start3A_172 = tpu.memref_slice %arg4[%mul3A_168, %dma_start3A_171] : memref<100000x128xf32, #tpu.memory_space<hbm>> -> memref<400x128xf32, #tpu.memory_space<hbm>>
    tpu.enqueue_dma source(%arg14 : memref<400x128xf32, #tpu.memory_space<vmem>>) target(%dma_start3A_172 : memref<400x128xf32, #tpu.memory_space<hbm>>) target_semaphore(%arg17 : memref<!tpu.dma_semaphore, #tpu.memory_space<semaphore_mem>>)
    %add3A_173 = arith.constant 160 : i32
    %add3A_174 = arith.addi %add3A, %add3A_173 : i32
    %mul3A_175 = arith.constant 400 : i32
    %mul3A_176 = arith.muli %add3A_174, %mul3A_175 : i32
    %dma_wait3A_177 = arith.constant 0 : i32
    %dma_wait3A_178 = tpu.memref_slice %arg4[%mul3A_176, %dma_wait3A_177] : memref<100000x128xf32, #tpu.memory_space<hbm>> -> memref<400x128xf32, #tpu.memory_space<hbm>>
    %dma_wait3A_179 = arith.constant 0 : i32
    %dma_wait3A_180 = tpu.memref_slice %arg4[%mul3A_176, %dma_wait3A_179] : memref<100000x128xf32, #tpu.memory_space<hbm>> -> memref<400x128xf32, #tpu.memory_space<hbm>>
    tpu.wait_dma2 semaphore(%arg18 : memref<!tpu.dma_semaphore, #tpu.memory_space<semaphore_mem>>) src(%arg15 : memref<400x128xf32, #tpu.memory_space<vmem>>) dst(%dma_wait3A_180 : memref<400x128xf32, #tpu.memory_space<hbm>>)
    %add3A_181 = arith.constant 224 : i32
    %add3A_182 = arith.addi %add3A, %add3A_181 : i32
    %lt3A_183 = arith.constant 250 : i32
    %lt3A_184 = arith.cmpi slt, %add3A_182, %lt3A_183 : i32
    %convert_element_type3A_185 = arith.extui %lt3A_184 : i1 to i32
    %cond3A_186 = arith.constant 0 : i32
    %cond3A_187 = arith.cmpi ne, %convert_element_type3A_185, %cond3A_186 : i32
    scf.if %cond3A_187 {
      %dma_start3A_210 = arith.constant 0 : i32
      %dma_start3A_211 = arith.constant 0 : i32
      %dma_start3A_212 = tpu.memref_slice %arg5[%dma_start3A_210, %dma_start3A_211] : memref<64x128xf32, #tpu.memory_space<vmem_shared>> -> memref<64x128xf32, #tpu.memory_space<vmem_shared>>
      tpu.enqueue_indirect_dma source(%dma_start3A_212 : memref<64x128xf32, #tpu.memory_space<vmem_shared>>) target(%arg15 : memref<400x128xf32, #tpu.memory_space<vmem>>) offsets(%arg13 : memref<400xi32, #tpu.memory_space<vmem>>) semaphore(%arg16 : memref<!tpu.dma_semaphore, #tpu.memory_space<semaphore_mem>>)
      %dma_wait3A_213 = arith.constant 0 : i32
      %dma_wait3A_214 = arith.constant 0 : i32
      %dma_wait3A_215 = tpu.memref_slice %arg5[%dma_wait3A_213, %dma_wait3A_214] : memref<64x128xf32, #tpu.memory_space<vmem_shared>> -> memref<64x128xf32, #tpu.memory_space<vmem_shared>>
      tpu.wait_indirect_dma semaphore(%arg16 : memref<!tpu.dma_semaphore, #tpu.memory_space<semaphore_mem>>) src(%dma_wait3A_215 : memref<64x128xf32, #tpu.memory_space<vmem_shared>>) dst(%arg15 : memref<400x128xf32, #tpu.memory_space<vmem>>)
    } else {
    }
    %add3A_188 = arith.constant 224 : i32
    %add3A_189 = arith.addi %add3A, %add3A_188 : i32
    %lt3A_190 = arith.constant 250 : i32
    %lt3A_191 = arith.cmpi slt, %add3A_189, %lt3A_190 : i32
    %convert_element_type3A_192 = arith.extui %lt3A_191 : i1 to i32
    %cond3A_193 = arith.constant 0 : i32
    %cond3A_194 = arith.cmpi ne, %convert_element_type3A_192, %cond3A_193 : i32
    scf.if %cond3A_194 {
      %add3A_210 = arith.constant 224 : i32
      %add3A_211 = arith.addi %add3A, %add3A_210 : i32
      %mul3A_212 = arith.constant 400 : i32
      %mul3A_213 = arith.muli %add3A_211, %mul3A_212 : i32
      %dma_start3A_214 = arith.constant 0 : i32
      %dma_start3A_215 = tpu.memref_slice %arg4[%mul3A_213, %dma_start3A_214] : memref<100000x128xf32, #tpu.memory_space<hbm>> -> memref<400x128xf32, #tpu.memory_space<hbm>>
      %dma_start3A_216 = arith.constant 0 : i32
      %dma_start3A_217 = tpu.memref_slice %arg4[%mul3A_213, %dma_start3A_216] : memref<100000x128xf32, #tpu.memory_space<hbm>> -> memref<400x128xf32, #tpu.memory_space<hbm>>
      tpu.enqueue_dma source(%arg15 : memref<400x128xf32, #tpu.memory_space<vmem>>) target(%dma_start3A_217 : memref<400x128xf32, #tpu.memory_space<hbm>>) target_semaphore(%arg18 : memref<!tpu.dma_semaphore, #tpu.memory_space<semaphore_mem>>)
    } else {
    }
    %add3A_195 = arith.constant 192 : i32
    %add3A_196 = arith.addi %add3A, %add3A_195 : i32
    %mul3A_197 = arith.constant 400 : i32
    %mul3A_198 = arith.muli %add3A_196, %mul3A_197 : i32
    %dma_wait3A_199 = arith.constant 0 : i32
    %dma_wait3A_200 = tpu.memref_slice %arg4[%mul3A_198, %dma_wait3A_199] : memref<100000x128xf32, #tpu.memory_space<hbm>> -> memref<400x128xf32, #tpu.memory_space<hbm>>
    %dma_wait3A_201 = arith.constant 0 : i32
    %dma_wait3A_202 = tpu.memref_slice %arg4[%mul3A_198, %dma_wait3A_201] : memref<100000x128xf32, #tpu.memory_space<hbm>> -> memref<400x128xf32, #tpu.memory_space<hbm>>
    tpu.wait_dma2 semaphore(%arg17 : memref<!tpu.dma_semaphore, #tpu.memory_space<semaphore_mem>>) src(%arg14 : memref<400x128xf32, #tpu.memory_space<vmem>>) dst(%dma_wait3A_202 : memref<400x128xf32, #tpu.memory_space<hbm>>)
    %add3A_203 = arith.constant 224 : i32
    %add3A_204 = arith.addi %add3A, %add3A_203 : i32
    %lt3A_205 = arith.constant 250 : i32
    %lt3A_206 = arith.cmpi slt, %add3A_204, %lt3A_205 : i32
    %convert_element_type3A_207 = arith.extui %lt3A_206 : i1 to i32
    %cond3A_208 = arith.constant 0 : i32
    %cond3A_209 = arith.cmpi ne, %convert_element_type3A_207, %cond3A_208 : i32
    scf.if %cond3A_209 {
      %add3A_210 = arith.constant 224 : i32
      %add3A_211 = arith.addi %add3A, %add3A_210 : i32
      %mul3A_212 = arith.constant 400 : i32
      %mul3A_213 = arith.muli %add3A_211, %mul3A_212 : i32
      %dma_wait3A_214 = arith.constant 0 : i32
      %dma_wait3A_215 = tpu.memref_slice %arg4[%mul3A_213, %dma_wait3A_214] : memref<100000x128xf32, #tpu.memory_space<hbm>> -> memref<400x128xf32, #tpu.memory_space<hbm>>
      %dma_wait3A_216 = arith.constant 0 : i32
      %dma_wait3A_217 = tpu.memref_slice %arg4[%mul3A_213, %dma_wait3A_216] : memref<100000x128xf32, #tpu.memory_space<hbm>> -> memref<400x128xf32, #tpu.memory_space<hbm>>
      tpu.wait_dma2 semaphore(%arg18 : memref<!tpu.dma_semaphore, #tpu.memory_space<semaphore_mem>>) src(%arg15 : memref<400x128xf32, #tpu.memory_space<vmem>>) dst(%dma_wait3A_217 : memref<400x128xf32, #tpu.memory_space<hbm>>)
    } else {
    }
    return
  }
}

module attributes {stable_mosaic.version = 14 : i64} {
  func.func @_tc_onehot_body(%arg0: i32, %arg1: memref<1x1x10000xi32, #tpu.memory_space<vmem>>, %arg2: memref<64x64xf32, #tpu.memory_space<vmem>>, %arg3: memref<10000x64xf32, #tpu.memory_space<vmem>>) attributes {dimension_semantics = [#tpu.dimension_semantics<arbitrary>], iteration_bounds = array<i64: 10>, scalar_prefetch = 0 : i64, scratch_operands = 0 : i64, tpu.core_type = #tpu.core_type<tc>, window_params = [{transform_indices = @transform_0, window_bounds = array<i64: 1, 1, 10000>}, {pipeline_mode = #tpu.pipeline_mode<synchronous>, transform_indices = @transform_1, window_bounds = array<i64: 64, 64>}, {transform_indices = @transform_2, window_bounds = array<i64: 10000, 64>}]} {
    %get3A = arith.constant 0 : index
    %get3A_0 = arith.constant 0 : index
    %get3A_1 = arith.constant 0 : index
    %get3A_2 = vector.load %arg1[%get3A, %get3A_0, %get3A_1] : memref<1x1x10000xi32, #tpu.memory_space<vmem>>, vector<1x1x10000xi32>
    %get3A_3 = vector.shape_cast %get3A_2 : vector<1x1x10000xi32> to vector<1x10000xi32>
    %iota3A = tpu.iota {dimensions = array<i32: 0>} : vector<64x10000xi32>
    %eq3A = vector.broadcast %get3A_3 : vector<1x10000xi32> to vector<64x10000xi32>
    %eq3A_4 = arith.cmpi eq, %eq3A, %iota3A : vector<64x10000xi32>
    %convert_element_type3A = arith.extui %eq3A_4 : vector<64x10000xi1> to vector<64x10000xi32>
    %convert_element_type3A_5 = arith.sitofp %convert_element_type3A : vector<64x10000xi32> to vector<64x10000xf32>
    %get3A_6 = arith.constant 0 : index
    %get3A_7 = arith.constant 0 : index
    %get3A_8 = vector.load %arg2[%get3A_6, %get3A_7] : memref<64x64xf32, #tpu.memory_space<vmem>>, vector<64x64xf32>
    %dot_general3A = arith.constant dense<0.000000e+00> : vector<10000x64xf32>
    %dot_general3A_9 = tpu.matmul %convert_element_type3A_5, %get3A_8, %dot_general3A {dimension_numbers = #tpu.dot_dimension_numbers<[0], [0], [1], [1], [0, 1, 1, 1], [], []>, transpose_lhs_hint = false} : vector<64x10000xf32>, vector<64x64xf32>, vector<10000x64xf32> -> vector<10000x64xf32>
    %swap3A = arith.constant 0 : index
    %swap3A_10 = arith.constant 0 : index
    %swap3A_11 = vector.load %arg3[%swap3A, %swap3A_10] : memref<10000x64xf32, #tpu.memory_space<vmem>>, vector<10000x64xf32>
    tpu.vector_store %arg3[%swap3A, %swap3A_10], %dot_general3A_9 {strides = array<i32>} : memref<10000x64xf32, #tpu.memory_space<vmem>>, vector<10000x64xf32>,
    return
  }
  func.func @transform_0(%arg0: i32) -> (i32, i32, i32) {
    %c0_i32 = arith.constant 0 : i32
    %c0_i32_0 = arith.constant 0 : i32
    %c0_i32_1 = arith.constant 0 : i32
    return %arg0, %c0_i32, %c0_i32_0 : i32, i32, i32
  }
  func.func @transform_1(%arg0: i32) -> (i32, i32) {
    %c0_i32 = arith.constant 0 : i32
    %c0_i32_0 = arith.constant 0 : i32
    %c0_i32_1 = arith.constant 0 : i32
    return %c0_i32, %c0_i32_0 : i32, i32
  }
  func.func @transform_2(%arg0: i32) -> (i32, i32) {
    %c0_i32 = arith.constant 0 : i32
    %c0_i32_0 = arith.constant 0 : i32
    return %arg0, %c0_i32 : i32, i32
  }
}

</mosaic_0001>

<sc_bundles>
// kernel: kernel.4.cloned.1.call-start
scs
__scs_entry_jumppad:
0x0: {  	(pc) =	sbr.rel $0x88, $3  }
0x1: {  	(tag) =	ssettag $0x0;
	lr =	simm.s32 $0x1  }
0x2: {  	[smem:$0x3F9E] =	sst lr;
	_ =	strace $0xD0000000  }
0x3: {  	_ = 	snop  }
0x4: {  	_ = 	snop  }
0x5: {  	_ = 	snop  }
0x6: {  	_ = 	snop  }
0x7: {  	_ = 	snop  }
__scs_overlays_trampoline_lowered:
0x8: {  	[smem:$0x3FAD] =	sst s0  }
0x9: {  	[smem:$0x3FAE] =	sst s1  }
0xa: {  	[smem:$0x3FAF] =	sst s2  }
0xb: {  	[smem:$0x3FB0] =	sst s3  }
0xc: {  	[smem:$0x3FB1] =	sst s4  }
0xd: {  	[smem:$0x3FB2] =	sst s5  }
0xe: {  	[smem:$0x3FB3] =	sst s6  }
0xf: {  	[smem:$0x3FB4] =	sst s7  }
0x10: {  	[smem:$0x3FB5] =	sst s8  }
0x11: {  	[smem:$0x3FB6] =	sst s9;
	s0 =	simm.s32 @!p0 $0x0  }
0x12: {  	s1 =	sld [smem:$0x3F9C];
	s0 =	simm.s32 @p0 $0x1  }
0x13: {  	[smem:$0x3FB7] =	sst s0;
	s0 =	simm.s32 @!p1 $0x0  }
0x14: {  	s2 =	sld [smem:$0x3F9B];
	s0 =	simm.s32 @p1 $0x1  }
0x15: {  	[smem:$0x3FB8] =	sst s0;
	s0 =	simm.s32 @!p2 $0x0  }
0x16: {  	s3 =	sld [smem:$0x3FDB];
	s0 =	simm.s32 @p2 $0x1  }
0x17: {  	s4 =	simm.s32 $0x1BF5;
	[smem:$0x3FBA] =	sst s0  }
0x18: {  	s0 =	sld [smem:$0x3F9D];
	_ =	swait.ge [sflag:s4], $0x0  }
0x19: {  	s7 =	sld [smem:$0x3F9E]  }
0x1a: {  	s8 =	sadd.s32 $0xFFFFE003, lr  }
0x1b: {  	s9 =	sadd.s32 $0xFFFFFEF7, lr;
	s5 =	simm.s32 $0xFFFFFFFF;
	p2 =	slt.u32 s8, $0xFFFFF086  }
0x1c: {  	p1 =	slt.u32 s9, $0xF7A;
	s5 =	simm.s32 @!p2 $0x0  }
0x1d: {  	s5 =	simm.s32 @p1 $0x1;
	p0 =	seq.s32 s7, s2  }
0x1e: {  	s7 =	smul.u32 @!p0 $0xF7A, s2;
	p2 =	seq.s32 @!p0 s5, $0x0  }
0x1f: {  	s9 =	smul.u32 $0xF7A, s1;
	s8 =	simm.s32 @!p0 $0x1BF5;
	p2 =	por !p2, p0  }
0x20: {  	[sflag:s8] =	ssyncset.s32 @!p0 $0xFFFFF086;
	s6 =	sadd.s32 @!p0 s3, s7;
	s7 =	simm.s32 @!p0 $0x108  }
0x21: {  	s3 =	sadd.s32 s3, s9;
	s6 =	sadd.s32 @!p0 $0x88, s6;
	s7 =	simm.s32 @p2 $0x1082  }
0x22: {  	[simem:s7], [sflag:s8] =	dma.local @!p0 [hbm:s6], $0xF7A  }
0x23: {  	s9 =	sor.u32 $0xD0000000, s2;
	s6 =	simm.s32 $0x108;
	_ =	swait.ge @!p0 [sflag:s8], $0x0  }
0x24: {  	s3 =	sadd.s32 $0x88, s3;
	s6 =	simm.s32 @!p1 $0x1082;
	[sflag:s4] =	ssyncset.s32 $0xFFFFF086  }
0x25: {  	[simem:s6], [sflag:s4] =	dma.local [hbm:s3], $0xF7A  }
0x26: {  	[smem:$0x3F9E] =	sst s1;
	(tag) =	ssettag s2;
	_ =	strace s9  }
0x27: {  	s1 =	sld [smem:$0x3FAE]  }
0x28: {  	s2 =	sld [smem:$0x3FAF]  }
0x29: {  	s4 =	sld [smem:$0x3FB1]  }
0x2a: {  	p0 =	seq.s32 s5, $0x0;
	s5 =	sld [smem:$0x3FB2]  }
0x2b: {  	s6 =	sld [smem:$0x3FB3]  }
0x2c: {  	s7 =	sld [smem:$0x3FB4]  }
0x2d: {  	s3 =	simm.s32 $0x108;
	s8 =	sld [smem:$0x3FB5]  }
0x2e: {  	s3 =	simm.s32 @!p0 $0x1082;
	s9 =	sld [smem:$0x3FB6]  }
0x2f: {  	lr =	sadd.s32 s0, s3;
	s0 =	sld [smem:$0x3FAD]  }
0x30: {  	s3 =	sld [smem:$0x3FB0]  }
0x31: {  	[smem:$0x3FB9] =	sst s10  }
0x32: {  	s10 =	sld [smem:$0x3FB7];
	_ =	sdelay $0x3  }
0x33: {  	p0 =	seq.s32 s10, $0x1;
	s10 =	sld [smem:$0x3FB9];
	_ =	sdelay $0x3  }
0x34: {  	[smem:$0x3FB9] =	sst s10  }
0x35: {  	s10 =	sld [smem:$0x3FB8];
	_ =	sdelay $0x3  }
0x36: {  	p1 =	seq.s32 s10, $0x1;
	s10 =	sld [smem:$0x3FB9];
	_ =	sdelay $0x3  }
0x37: {  	[smem:$0x3FB9] =	sst s10  }
0x38: {  	s10 =	sld [smem:$0x3FBA]  }
0x39: {  	_ = 	snop;
	(pc) =	sbr.ind lr, $3  }
0x3a: {  	_ = 	snop  }
0x3b: {  	_ = 	snop  }
0x3c: {  	p2 =	seq.s32 s10, $0x1;
	s10 =	sld [smem:$0x3FB9]  }
0x3d: {  	_ =	shalt  }
0x3e: {  	_ =	shalt  }
0x3f: {  	_ =	shalt  }
0x40: {  	_ =	shalt  }
0x41: {  	_ =	shalt  }
0x42: {  	_ =	shalt  }
0x43: {  	_ =	shalt  }
0x44: {  	_ =	shalt  }
0x45: {  	_ =	shalt  }
0x46: {  	_ =	shalt  }
0x47: {  	_ =	shalt  }
0x48: {  	_ =	shalt  }
0x49: {  	_ =	shalt  }
0x4a: {  	_ =	shalt  }
0x4b: {  	_ =	shalt  }
0x4c: {  	_ =	shalt  }
0x4d: {  	_ =	shalt  }
0x4e: {  	_ =	shalt  }
0x4f: {  	_ =	shalt  }
0x50: {  	_ =	shalt  }
0x51: {  	_ =	shalt  }
0x52: {  	_ =	shalt  }
0x53: {  	_ =	shalt  }
0x54: {  	_ =	shalt  }
0x55: {  	_ =	shalt  }
0x56: {  	_ =	shalt  }
0x57: {  	_ =	shalt  }
0x58: {  	_ =	shalt  }
0x59: {  	_ =	shalt  }
0x5a: {  	_ =	shalt  }
0x5b: {  	_ =	shalt  }
0x5c: {  	_ =	shalt  }
0x5d: {  	_ =	shalt  }
0x5e: {  	_ =	shalt  }
0x5f: {  	_ =	shalt  }
0x60: {  	_ =	shalt  }
0x61: {  	_ =	shalt  }
0x62: {  	_ =	shalt  }
0x63: {  	_ =	shalt  }
0x64: {  	_ =	shalt  }
0x65: {  	_ =	shalt  }
0x66: {  	_ =	shalt  }
0x67: {  	_ =	shalt  }
0x68: {  	_ =	shalt  }
0x69: {  	_ =	shalt  }
0x6a: {  	_ =	shalt  }
0x6b: {  	_ =	shalt  }
0x6c: {  	_ =	shalt  }
0x6d: {  	_ =	shalt  }
0x6e: {  	_ =	shalt  }
0x6f: {  	_ =	shalt  }
0x70: {  	_ =	shalt  }
0x71: {  	_ =	shalt  }
0x72: {  	_ =	shalt  }
0x73: {  	_ =	shalt  }
0x74: {  	_ =	shalt  }
0x75: {  	_ =	shalt  }
0x76: {  	_ =	shalt  }
0x77: {  	_ =	shalt  }
0x78: {  	_ =	shalt  }
0x79: {  	_ =	shalt  }
0x7a: {  	_ =	shalt  }
0x7b: {  	_ =	shalt  }
0x7c: {  	_ =	shalt  }
0x7d: {  	_ =	shalt  }
0x7e: {  	_ =	shalt  }
0x7f: {  	_ =	shalt  }
0x80: {  	_ =	shalt  }
0x81: {  	_ =	shalt  }
0x82: {  	_ =	shalt  }
0x83: {  	_ =	shalt  }
0x84: {  	_ =	shalt  }
0x85: {  	_ =	shalt  }
0x86: {  	_ =	shalt  }
0x87: {  	_ =	shalt  }
.Lfunc_end0:
.L_simem_size_0:
called_computation_lowered:
.L_overlay_start_0:
0x88: {  	s2 =	sld [smem:$0x3FD9]  }
0x89: {  	s3 =	sld [smem:$0x3FFE];
	_ =	sdelay $0x1  }
0x8a: {  	s1 =	srdreg.scid  }
0x8b: {  	s0 =	sand.u32 $0x1, s1  }
0x8c: {  	s15 =	sshll.u32 s0, $0xA;
	s2 =	sadd.s32 s3, s2  }
0x8d: {  	s2 =	sadd.s32 s2, s15  }
0x8e: {  	[smem:$0x3FC5] =	sst s2  }
0x8f: {  	_ = 	snop  }
0x90: {  	s2 =	sld [smem:$0x3FD0];
	_ =	sdelay $0x2  }
0x91: {  	s4 =	simm.s32 $0xA;
	s5 =	simm.s32 $0x10;
	s16 =	sld [smem:$0x3FC9]  }
0x92: {  	[smem:s5], [sflag:s4] =	dma.local [hbm:s2], $0x1  }
0x93: {  	_ =	swait.eq [sflag:s4], $0x1  }
0x94: {  	[sflag:s4] =	ssyncset.done $0x0  }
0x95: {  	s17 =	sld [smem:$0x10];
	[sflag:s4] =	ssyncadd.s32 $0xFFFFFFFF  }
0x96: {  	s18 =	sld [smem:$0x12];
	(tm) =	ssettm $0x1  }
0x97: {  	s19 =	sld [smem:$0x3FFB];
	_ =	sdelay $0x3  }
0x98: {  	_ =	strace s19  }
0x99: {  	s5 =	sld [smem:$0x3FFC];
	_ =	sdelay $0x3  }
0x9a: {  	_ =	strace s5  }
0x9b: {  	s5 =	sld [smem:$0x3FFD];
	_ =	sdelay $0x3  }
0x9c: {  	_ =	strace s5  }
0x9d: {  	_ =	strace $0x8FFFFFFF  }
0x9e: {  	s20 =	sld [smem:$0x3FDB];
	_ =	sdelay $0x1  }
0x9f: {  	s6 =	simm.s32 $_scs_section_size  }
0xa0: {  	s7 =	simm.s32 $_size__tile_overlayer_lowered;
	s8 =	simm.s32 $_tile_overlayer_lowered  }
0xa1: {  	s23 =	simm.s32 $0x1BFF;
	s22 =	sshll.u32 s8, $0x1;
	s5 =	sadd.s32 s6, s20  }
0xa2: {  	s9 =	simm.s32 $0x0;
	s21 =	sshll.u32 s7, $0x1;
	s7 =	sadd.s32 s22, s5  }
0xa3: {  	[timem:s9], [sflag:s23] =	dma.local [hbm:s7], s21  }
0xa4: {  	_ =	swait.ge [sflag:s23], s21  }
0xa5: {  	s6 =	ssub.s32 $0x0, s21;
	[sflag:s23] =	ssyncset.done $0x0  }
0xa6: {  	[sflag:s23] =	ssyncadd.s32 s6;
	_ =	sdelay $0x1  }
0xa7: {  	s24 =	simm.s32 $0x1B8B  }
0xa8: {  	_ =	swait.ge [sflag:s24], $0x1  }
0xa9: {  	[sflag:s24] =	ssyncset.done $0x0  }
0xaa: {  	s25 =	simm.s32 $0x1B8E;
	[sflag:s24] =	ssyncadd.s32 $0xFFFFFFFF  }
0xab: {  	s26 =	simm.s32 $execute0_lowered;
	[smem:$0x3FD2] =	sst s25  }
0xac: {  	s6 =	sshll.u32 s26, $0x1;
	_ =	strace $0x80000046;
	[dreg:$0x1] =	wrdreg $0xFFFFFFFF  }
0xad: {  	s28 =	simm.s32 $_size_execute0_lowered;
	s5 =	sadd.s32 s5, s6;
	[dreg:$0x0] =	wrdreg $0x0  }
0xae: {  	s6 =	sshll.u32 s28, $0x1;
	[dreg:$0x2] =	wrdreg s5  }
0xaf: {  	[dreg:$0x3] =	wrdreg s6  }
0xb0: {  	[dreg:$0x4] =	wrdreg $0xC0  }
0xb1: {  	_ =	task [dreg:s9], $0x5FFFF  }
0xb2: {  	[dreg:$0x1] =	wrdreg $0xFFFFFFFF  }
0xb3: {  	[dreg:$0x0] =	wrdreg $0x60  }
0xb4: {  	[dreg:$0x2] =	wrdreg s18  }
0xb5: {  	[dreg:$0x3] =	wrdreg s16  }
0xb6: {  	[dreg:$0x4] =	wrdreg s17  }
0xb7: {  	[dreg:$0x5] =	wrdreg $0x0  }
0xb8: {  	[dreg:$0x6] =	wrdreg $0x9  }
0xb9: {  	_ =	task.clear_ibuf [dreg:s9], $0x7FFFF;
	_ =	strace $0x90000046  }
0xba: {  	s29 =	simm.s32 $0x9;
	_ =	strace $0x80000048  }
0xbb: {  	_ =	swait.ge [sflag:s29], $0x1  }
0xbc: {  	[sflag:s29] =	ssyncadd.s32 $0xFFFFFFFF  }
0xbd: {  	_ =	strace $0x90000048  }
0xbe: {  	_ =	sfence  }
0xbf: {  	s30 =	sld [smem:$0x0];
	_ =	sdelay $0x2  }
0xc0: {  	s31 =	sshll.u32 s1, $0xD;
	s1 =	sshrl.u32 s1, $0x2  }
0xc1: {  	s3 =	sand.u32 $0x4000, s31;
	s1 =	sadd.s32 s1, s30  }
0xc2: {  	s0 =	sor.u32 s3, s0;
	s1 =	sshll.u32 s1, $0x11  }
0xc3: {  	s0 =	sor.u32 s1, s0  }
0xc4: {  	s0 =	sadd.s32 $0x8F2B, s0  }
0xc5: {  	[sflag:s0] =	ssyncadd.remote.s32 $0x1  }
0xc6: {  	_ =	sfence.sel $0xFFFF  }
0xc7: {  	[dreg:$0x0] =	wrdreg $0xFFFFFFFF;
	(pc) =	sbr.abs _section_cstart, $3  }
0xc8: {  	[dreg:$0x1] =	wrdreg $0xFFFFFFFF  }
0xc9: {  	_ =	task.clear_ibuf [dreg:s9], $0x2FFFF;
	_ =	strace $0x9FFFFFFF  }
0xca: {  	(tm) =	ssettm $0x7FFFFFFF  }
0xcb: {  	_ =	shalt  }
tec
execute0_lowered:
.L_overlay_start_1:
0x0: {  	(tag) =	ssettag $0x1  }
0x1: {  	s0 =	rddreg [dreg:$0x0]  }
0x2: {  	s3 =	rddreg [dreg:$0x1]  }
0x3: {  	s1 =	srdreg.scid;
	s6 =	rddreg [dreg:$0x2]  }
0x4: {  	[dreg:$0x5] =	wrdreg s0;
	s0 =	stileid.u32  }
0x5: {  	s23 =	rddreg [dreg:$0x4];
	s4 =	sand.u32 $0x1, s1;
	s21 =	sshll.u32 s0, $0x1  }
0x6: {  	s2 =	simm.s32 $0x0;
	s1 =	rddreg [dreg:$0x3];
	s5 =	sor.u32 s4, s21  }
0x7: {  	p2 =	por $0x0, $0x0;
	[smem:$0x7FF] =	sst s2;
	s7 =	smul.u32 $0x190, s5  }
0x8: {  	_ =	strace $0x80000047;
	p0 =	sne.s32 s0, $0x0;
	s8 =	smul.u32 $0x32, s5  }
0x9: {  	p1 =	sgt.u32 s0, $0xC;
	s14 =	sor.u32 $0xE0, s5;
	s5 =	smul.u32 $0x1900, s5  }
0xa: {  	s4 =	ssub.s32 $0x2, s4;
	s16 =	smul.u32 $0x32, s14;
	s9 =	sadd.s32 $0x3200, s7  }
0xb: {  	s8 =	sadd.s32 s3, s8;
	s24 =	sadd.s32 $0x6400, s7;
	s11 =	sadd.s32 $0x9600, s7  }
0xc: {  	s13 =	sadd.s32 $0xC800, s7;
	s30 =	sadd.s32 $0xFA00, s7;
	s7 =	sadd.s32 $0x12C00, s7  }
0xd: {  	s17 =	sadd.s32 s6, s5;
	s10 =	sshrl.u32 s9, $0x3;
	[dreg:$0x6] =	wrdreg s8  }
0xe: {  	s25 =	sshrl.u32 s24, $0x3;
	s12 =	sshrl.u32 s11, $0x3;
	s28 =	sshrl.u32 s13, $0x3  }
0xf: {  	s31 =	sshrl.u32 s30, $0x3;
	s15 =	sshrl.u32 s7, $0x3;
	s18 =	sshll.u32 s9, $0x4  }
0x10: {  	[dreg:$0xe] =	wrdreg s17;
	s20 =	sshll.u32 s24, $0x4;
	s24 =	sshrl.u32 s4, $0x1  }
0x11: {  	s17 =	simm.s32 $0x400;
	s22 =	sadd.s32 s3, s10;
	s8 =	sadd.s32 s3, s25  }
0x12: {  	s26 =	sadd.s32 s3, s12;
	s29 =	sadd.s32 s3, s28;
	[dreg:$0x7] =	wrdreg s22  }
0x13: {  	s12 =	sadd.s32 s3, s31;
	s15 =	sadd.s32 s3, s15;
	[dreg:$0x8] =	wrdreg s8  }
0x14: {  	s3 =	sadd.s32 s3, s16;
	s19 =	sadd.s32 s6, s18;
	[dreg:$0x9] =	wrdreg s26  }
0x15: {  	s21 =	sadd.s32 s6, s20;
	s9 =	ssub.s32 s4, s24;
	[dreg:$0xa] =	wrdreg s29  }
0x16: {  	s28 =	sshll.u32 s30, $0x4;
	s30 =	sshll.u32 s7, $0x4;
	[dreg:$0xb] =	wrdreg s12  }
0x17: {  	s18 =	simm.s32 $0x200;
	s16 =	simm.s32 $0x600;
	[dreg:$0xc] =	wrdreg s15  }
0x18: {  	s10 =	simm.s32 $0x190;
	s7 =	simm.s32 $0x3;
	[dreg:$0xd] =	wrdreg s3  }
0x19: {  	s20 =	sshrl.u32 @!p0 s1, $0x3;
	[dreg:$0xf] =	wrdreg s19;
	s22 =	sshll.u32 s11, $0x4  }
0x1a: {  	[dreg:$0x10] =	wrdreg s21;
	s26 =	sshll.u32 s13, $0x4;
	s31 =	smax.u32 s9, $0x1  }
0x1b: {  	s29 =	smul.u32 $0x1900, s14;
	s5 =	sadd.s32 s6, s28;
	s0 =	sadd.s32 $0xFFFFFFFF, s31  }
0x1c: {  	s4 =	sadd.s32 s6, s30;
	s19 =	simm.s32 $0x4;
	p3 =	sne.s32 s0, $0x0  }
.Ltmp0:
0x1d: {  	s15 =	simm.s32 $0x800;
	s14 =	simm.s32 $0xA00;
	(pc) =	sbr.rel @!p3 .LBB2_1-.Ltmp0, $4  }
0x1e: {  	s11 =	simm.s32 $0xC00;
	s8 =	simm.s32 $0xE00;
	s9 =	simm.s32 $0x1  }
0x1f: {  	s13 =	simm.s32 $0xDA00;
	s21 =	rddreg [dreg:$0x5];
	s25 =	sadd.s32 s6, s22  }
0x20: {  	s12 =	simm.s32 $0x2;
	s3 =	sadd.s32 s6, s26;
	[dreg:$0x11] =	wrdreg s25  }
0x21: {  	[dreg:$0x12] =	wrdreg s3;
	s3 =	sadd.s32 s6, s29;
	s6 =	simm.s32 $0x1200  }
0x22: {  	s23 =	simm.s32 @!p0 $0x1C04;
	s22 =	simm.s32 @!p0 $0x4  }
0x23: {  	[spmem:s20], [sflag:s23] =	dma.local @!p0 [hbm:s21], $0x400  }
0x24: {  	_ =	swait.ge @!p0 [sflag:s22], $0x400  }
0x25: {  	[sflag:s22] =	ssyncset.done @!p0 $0x0  }
0x26: {  	s25 =	rddreg [dreg:$0x6];
	[sflag:s22] =	ssyncadd.s32 @!p0 $0xFFFFFC00  }
0x27: {  	[tilespmem:s18], [sflag:$0x4] =	stream.linear.gather [hbm4b:s25+s2], $0x190, $0x38;
	[tilespmem:$0x1A200] =	vst v63  }
0x28: {  	_ =	swait.ge [sflag:s19], $0x190  }
0x29: {  	[sflag:s19] =	ssyncset.done $0x0  }
0x2a: {  	s26 =	rddreg [dreg:$0x7];
	[sflag:s19] =	ssyncadd.s32 $0xFFFFFE70  }
0x2b: {  	[tilespmem:s17], [sflag:$0x4] =	stream.linear.gather [hbm4b:s26+s2], $0x190, $0x38;
	[tilespmem:$0x1A200] =	vst v63  }
0x2c: {  	_ =	swait.ge [sflag:s19], $0x190  }
0x2d: {  	[sflag:s19] =	ssyncset.done $0x0  }
0x2e: {  	s28 =	rddreg [dreg:$0x8];
	[sflag:s19] =	ssyncadd.s32 $0xFFFFFE70  }
0x2f: {  	[tilespmem:s16], [sflag:$0x4] =	stream.linear.gather [hbm4b:s28+s2], $0x190, $0x38;
	[tilespmem:$0x1A200] =	vst v63  }
0x30: {  	_ =	swait.ge [sflag:s19], $0x190  }
0x31: {  	[sflag:s19] =	ssyncset.done $0x0  }
0x32: {  	s23 =	rddreg [dreg:$0x9];
	[sflag:s19] =	ssyncadd.s32 $0xFFFFFE70  }
0x33: {  	[tilespmem:s15], [sflag:$0x4] =	stream.linear.gather [hbm4b:s23+s2], $0x190, $0x38;
	[tilespmem:$0x1A200] =	vst v63  }
0x34: {  	_ =	swait.ge [sflag:s19], $0x190  }
0x35: {  	[sflag:s19] =	ssyncset.done $0x0  }
0x36: {  	s24 =	rddreg [dreg:$0xa];
	[sflag:s19] =	ssyncadd.s32 $0xFFFFFE70  }
0x37: {  	[tilespmem:s14], [sflag:$0x4] =	stream.linear.gather [hbm4b:s24+s2], $0x190, $0x38;
	[tilespmem:$0x1A200] =	vst v63  }
0x38: {  	_ =	swait.ge [sflag:s19], $0x190  }
0x39: {  	[sflag:s19] =	ssyncset.done $0x0  }
0x3a: {  	s25 =	rddreg [dreg:$0xb];
	[sflag:s19] =	ssyncadd.s32 $0xFFFFFE70  }
0x3b: {  	[tilespmem:s11], [sflag:$0x4] =	stream.linear.gather [hbm4b:s25+s2], $0x190, $0x38;
	[tilespmem:$0x1A200] =	vst v63  }
0x3c: {  	_ =	swait.ge [sflag:s19], $0x190  }
0x3d: {  	[sflag:s19] =	ssyncset.done $0x0  }
0x3e: {  	s26 =	rddreg [dreg:$0xc];
	[sflag:s19] =	ssyncadd.s32 $0xFFFFFE70  }
0x3f: {  	[tilespmem:s8], [sflag:$0x4] =	stream.linear.gather [hbm4b:s26+s2], $0x190, $0x38;
	[tilespmem:$0x1A200] =	vst v63  }
0x40: {  	_ =	swait.ge [sflag:s19], $0x190  }
0x41: {  	s23 =	simm.s32 @!p1 $0x4;
	s24 =	simm.s32 @!p1 $0x0;
	[sflag:s19] =	ssyncset.done $0x0  }
0x42: {  	s25 =	simm.s32 @!p1 $0x1000;
	s21 =	rddreg [dreg:$0xd];
	[sflag:s19] =	ssyncadd.s32 $0xFFFFFE70  }
0x43: {  	[tilespmem:s25], [sflag:$0x4] =	stream.linear.gather @!p1 [hbm4b:s21+s24], $0x190, $0x38;
	[tilespmem:$0x1A200] =	vst v63  }
0x44: {  	_ =	swait.ge @!p1 [sflag:s23], $0x190  }
0x45: {  	[sflag:s23] =	ssyncset.done @!p1 $0x0  }
0x46: {  	[sflag:s23] =	ssyncadd.s32 @!p1 $0xFFFFFE70  }
0x47: {  	[bflag:$0x0] =	sbarrier.arrive $0xFFFF  }
0x48: {  	[tilespmem:s6], [sflag:$0x1] =	stream.indirect.gather [spmem:s1], $0x80, s18, s10, $0xb8;
	[tilespmem:$0x1A200] =	vst v63  }
0x49: {  	_ =	swait.ge [sflag:s9], $0xC800  }
0x4a: {  	[sflag:s9] =	ssyncset.done $0x0  }
0x4b: {  	s28 =	rddreg [dreg:$0xe];
	[sflag:s9] =	ssyncadd.s32 $0xFFFF3800  }
0x4c: {  	[hbm4b:s28+s2] =	stream.linear.scatter [tilespmem:s6], [sflag:$0x2], $0xC800, $0x38;
	[tilespmem:$0x1A200] =	vst v63  }
0x4d: {  	_ = 	snop  }
0x4e: {  	[tilespmem:s13], [sflag:$0x1] =	stream.indirect.gather [spmem:s1], $0x80, s17, s10, $0xb8;
	[tilespmem:$0x1A200] =	vst v63  }
0x4f: {  	_ =	swait.ge [sflag:s9], $0xC800  }
0x50: {  	[sflag:s9] =	ssyncset.done $0x0  }
0x51: {  	s26 =	rddreg [dreg:$0xf];
	[sflag:s9] =	ssyncadd.s32 $0xFFFF3800  }
0x52: {  	[hbm4b:s26+s2] =	stream.linear.scatter [tilespmem:s13], [sflag:$0x3], $0xC800, $0x38;
	[tilespmem:$0x1A200] =	vst v63  }
0x53: {  	_ =	swait.ge [sflag:s12], $0xC800  }
0x54: {  	[sflag:s12] =	ssyncset.done $0x0  }
0x55: {  	[sflag:s12] =	ssyncadd.s32 $0xFFFF3800  }
0x56: {  	[tilespmem:s6], [sflag:$0x1] =	stream.indirect.gather [spmem:s1], $0x80, s16, s10, $0xb8;
	[tilespmem:$0x1A200] =	vst v63  }
0x57: {  	_ =	swait.ge [sflag:s9], $0xC800  }
0x58: {  	[sflag:s9] =	ssyncset.done $0x0  }
0x59: {  	s28 =	rddreg [dreg:$0x10];
	[sflag:s9] =	ssyncadd.s32 $0xFFFF3800  }
0x5a: {  	[hbm4b:s28+s2] =	stream.linear.scatter [tilespmem:s6], [sflag:$0x2], $0xC800, $0x38;
	[tilespmem:$0x1A200] =	vst v63  }
0x5b: {  	_ =	swait.ge [sflag:s7], $0xC800  }
0x5c: {  	[sflag:s7] =	ssyncset.done $0x0  }
0x5d: {  	[sflag:s7] =	ssyncadd.s32 $0xFFFF3800  }
0x5e: {  	[tilespmem:s13], [sflag:$0x1] =	stream.indirect.gather [spmem:s1], $0x80, s15, s10, $0xb8;
	[tilespmem:$0x1A200] =	vst v63  }
0x5f: {  	_ =	swait.ge [sflag:s9], $0xC800  }
0x60: {  	[sflag:s9] =	ssyncset.done $0x0  }
0x61: {  	s26 =	rddreg [dreg:$0x11];
	[sflag:s9] =	ssyncadd.s32 $0xFFFF3800  }
0x62: {  	[hbm4b:s26+s2] =	stream.linear.scatter [tilespmem:s13], [sflag:$0x3], $0xC800, $0x38;
	[tilespmem:$0x1A200] =	vst v63  }
0x63: {  	_ =	swait.ge [sflag:s12], $0xC800  }
0x64: {  	[sflag:s12] =	ssyncset.done $0x0  }
0x65: {  	[sflag:s12] =	ssyncadd.s32 $0xFFFF3800  }
0x66: {  	[tilespmem:s6], [sflag:$0x1] =	stream.indirect.gather [spmem:s1], $0x80, s14, s10, $0xb8;
	[tilespmem:$0x1A200] =	vst v63  }
0x67: {  	_ =	swait.ge [sflag:s9], $0xC800  }
0x68: {  	[sflag:s9] =	ssyncset.done $0x0  }
0x69: {  	s28 =	rddreg [dreg:$0x12];
	[sflag:s9] =	ssyncadd.s32 $0xFFFF3800  }
0x6a: {  	[hbm4b:s28+s2] =	stream.linear.scatter [tilespmem:s6], [sflag:$0x2], $0xC800, $0x38;
	[tilespmem:$0x1A200] =	vst v63  }
0x6b: {  	_ =	swait.ge [sflag:s7], $0xC800  }
0x6c: {  	[sflag:s7] =	ssyncset.done $0x0  }
0x6d: {  	[sflag:s7] =	ssyncadd.s32 $0xFFFF3800  }
0x6e: {  	[tilespmem:s13], [sflag:$0x1] =	stream.indirect.gather [spmem:s1], $0x80, s11, s10, $0xb8;
	[tilespmem:$0x1A200] =	vst v63  }
0x6f: {  	_ =	swait.ge [sflag:s9], $0xC800  }
0x70: {  	[sflag:s9] =	ssyncset.done $0x0  }
0x71: {  	[sflag:s9] =	ssyncadd.s32 $0xFFFF3800  }
0x72: {  	[hbm4b:s5+s2] =	stream.linear.scatter [tilespmem:s13], [sflag:$0x3], $0xC800, $0x38;
	[tilespmem:$0x1A200] =	vst v63  }
0x73: {  	_ =	swait.ge [sflag:s12], $0xC800  }
0x74: {  	[sflag:s12] =	ssyncset.done $0x0  }
0x75: {  	[sflag:s12] =	ssyncadd.s32 $0xFFFF3800  }
0x76: {  	[tilespmem:s6], [sflag:$0x1] =	stream.indirect.gather [spmem:s1], $0x80, s8, s10, $0xb8;
	[tilespmem:$0x1A200] =	vst v63  }
0x77: {  	_ =	swait.ge [sflag:s9], $0xC800  }
0x78: {  	[sflag:s9] =	ssyncset.done $0x0  }
0x79: {  	[sflag:s9] =	ssyncadd.s32 $0xFFFF3800  }
0x7a: {  	[hbm4b:s4+s2] =	stream.linear.scatter [tilespmem:s6], [sflag:$0x2], $0xC800, $0x38;
	[tilespmem:$0x1A200] =	vst v63  }
0x7b: {  	_ =	swait.ge [sflag:s7], $0xC800  }
0x7c: {  	s29 =	simm.s32 @!p1 $0xDA00;
	[sflag:s7] =	ssyncset.done $0x0  }
0x7d: {  	s21 =	simm.s32 @!p1 $0x190;
	s26 =	simm.s32 @!p1 $0x1;
	[sflag:s7] =	ssyncadd.s32 $0xFFFF3800  }
0x7e: {  	[tilespmem:s29], [sflag:$0x1] =	stream.indirect.gather @!p1 [spmem:s1], $0x80, s25, s21, $0xb8;
	[tilespmem:$0x1A200] =	vst v63  }
0x7f: {  	_ =	swait.ge @!p1 [sflag:s26], $0xC800  }
0x80: {  	s0 =	sadd.s32 $0xFFFFFFFF, s0;
	[sflag:s26] =	ssyncset.done @!p1 $0x0  }
0x81: {  	s31 =	simm.s32 @!p1 $0x2;
	p3 =	sne.s32 s0, $0x0;
	[sflag:s26] =	ssyncadd.s32 @!p1 $0xFFFF3800  }
0x82: {  	[hbm4b:s3+s24] =	stream.linear.scatter @!p1 [tilespmem:s29], [sflag:$0x3], $0xC800, $0x38;
	[tilespmem:$0x1A200] =	vst v63  }
.Ltmp1:
0x83: {  	_ =	swait.ge @!p1 [sflag:s31], $0xC800;
	(pc) =	sbr.rel @!p3 .LBB2_3-.Ltmp1, $4  }
0x84: {  	s30 =	simm.s32 @!p1 $0x3;
	[sflag:s31] =	ssyncset.done @!p1 $0x0  }
0x85: {  	s30 =	simm.s32 @p1 $0x2;
	[sflag:s31] =	ssyncadd.s32 @!p1 $0xFFFF3800  }
0x86: {  	_ =	swait.ge [sflag:s30], $0xC800  }
0x87: {  	p2 =	por $0x1, $0x1;
	s21 =	rddreg [dreg:$0x5];
	[sflag:s30] =	ssyncset.done $0x0  }
.LBB2_4:
0x88: {  	[sflag:s30] =	ssyncadd.s32 $0xFFFF3800;
	s28 =	simm.s32 @!p0 $0x1C04  }
0x89: {  	[spmem:s20], [sflag:s28] =	dma.local @!p0 [hbm:s21], $0x400  }
0x8a: {  	_ =	swait.ge @!p0 [sflag:s22], $0x400  }
0x8b: {  	[sflag:s22] =	ssyncset.done @!p0 $0x0  }
0x8c: {  	s28 =	rddreg [dreg:$0x6];
	[sflag:s22] =	ssyncadd.s32 @!p0 $0xFFFFFC00  }
0x8d: {  	[tilespmem:s18], [sflag:$0x4] =	stream.linear.gather [hbm4b:s28+s2], $0x190, $0x38;
	[tilespmem:$0x1A200] =	vst v63  }
0x8e: {  	_ =	swait.ge [sflag:s19], $0x190  }
0x8f: {  	[sflag:s19] =	ssyncset.done $0x0  }
0x90: {  	s28 =	rddreg [dreg:$0x7];
	[sflag:s19] =	ssyncadd.s32 $0xFFFFFE70  }
0x91: {  	[tilespmem:s17], [sflag:$0x4] =	stream.linear.gather [hbm4b:s28+s2], $0x190, $0x38;
	[tilespmem:$0x1A200] =	vst v63  }
0x92: {  	_ =	swait.ge [sflag:s19], $0x190  }
0x93: {  	[sflag:s19] =	ssyncset.done $0x0  }
0x94: {  	s28 =	rddreg [dreg:$0x8];
	[sflag:s19] =	ssyncadd.s32 $0xFFFFFE70  }
0x95: {  	[tilespmem:s16], [sflag:$0x4] =	stream.linear.gather [hbm4b:s28+s2], $0x190, $0x38;
	[tilespmem:$0x1A200] =	vst v63  }
0x96: {  	_ =	swait.ge [sflag:s19], $0x190  }
0x97: {  	[sflag:s19] =	ssyncset.done $0x0  }
0x98: {  	s28 =	rddreg [dreg:$0x9];
	[sflag:s19] =	ssyncadd.s32 $0xFFFFFE70  }
0x99: {  	[tilespmem:s15], [sflag:$0x4] =	stream.linear.gather [hbm4b:s28+s2], $0x190, $0x38;
	[tilespmem:$0x1A200] =	vst v63  }
0x9a: {  	_ =	swait.ge [sflag:s19], $0x190  }
0x9b: {  	[sflag:s19] =	ssyncset.done $0x0  }
0x9c: {  	s28 =	rddreg [dreg:$0xa];
	[sflag:s19] =	ssyncadd.s32 $0xFFFFFE70  }
0x9d: {  	[tilespmem:s14], [sflag:$0x4] =	stream.linear.gather [hbm4b:s28+s2], $0x190, $0x38;
	[tilespmem:$0x1A200] =	vst v63  }
0x9e: {  	_ =	swait.ge [sflag:s19], $0x190  }
0x9f: {  	[sflag:s19] =	ssyncset.done $0x0  }
0xa0: {  	s28 =	rddreg [dreg:$0xb];
	[sflag:s19] =	ssyncadd.s32 $0xFFFFFE70  }
0xa1: {  	[tilespmem:s11], [sflag:$0x4] =	stream.linear.gather [hbm4b:s28+s2], $0x190, $0x38;
	[tilespmem:$0x1A200] =	vst v63  }
0xa2: {  	_ =	swait.ge [sflag:s19], $0x190  }
0xa3: {  	[sflag:s19] =	ssyncset.done $0x0  }
0xa4: {  	s28 =	rddreg [dreg:$0xc];
	[sflag:s19] =	ssyncadd.s32 $0xFFFFFE70  }
0xa5: {  	[tilespmem:s8], [sflag:$0x4] =	stream.linear.gather [hbm4b:s28+s2], $0x190, $0x38;
	[tilespmem:$0x1A200] =	vst v63  }
0xa6: {  	_ =	swait.ge [sflag:s19], $0x190  }
0xa7: {  	[sflag:s19] =	ssyncset.done $0x0  }
0xa8: {  	s21 =	rddreg [dreg:$0xd];
	[sflag:s19] =	ssyncadd.s32 $0xFFFFFE70  }
0xa9: {  	[tilespmem:s25], [sflag:$0x4] =	stream.linear.gather @!p1 [hbm4b:s21+s24], $0x190, $0x38;
	[tilespmem:$0x1A200] =	vst v63  }
0xaa: {  	_ =	swait.ge @!p1 [sflag:s23], $0x190  }
0xab: {  	[sflag:s23] =	ssyncset.done @!p1 $0x0  }
0xac: {  	[sflag:s23] =	ssyncadd.s32 @!p1 $0xFFFFFE70  }
0xad: {  	[bflag:$0x0] =	sbarrier.arrive $0xFFFF  }
0xae: {  	[tilespmem:s6], [sflag:$0x1] =	stream.indirect.gather [spmem:s1], $0x80, s18, s10, $0xb8;
	[tilespmem:$0x1A200] =	vst v63  }
0xaf: {  	_ =	swait.ge [sflag:s9], $0xC800  }
0xb0: {  	[sflag:s9] =	ssyncset.done $0x0  }
0xb1: {  	s28 =	rddreg [dreg:$0xe];
	[sflag:s9] =	ssyncadd.s32 $0xFFFF3800  }
0xb2: {  	[hbm4b:s28+s2] =	stream.linear.scatter [tilespmem:s6], [sflag:$0x2], $0xC800, $0x38;
	[tilespmem:$0x1A200] =	vst v63  }
0xb3: {  	_ = 	snop  }
0xb4: {  	[tilespmem:s13], [sflag:$0x1] =	stream.indirect.gather [spmem:s1], $0x80, s17, s10, $0xb8;
	[tilespmem:$0x1A200] =	vst v63  }
0xb5: {  	_ =	swait.ge [sflag:s9], $0xC800  }
0xb6: {  	[sflag:s9] =	ssyncset.done $0x0  }
0xb7: {  	s28 =	rddreg [dreg:$0xf];
	[sflag:s9] =	ssyncadd.s32 $0xFFFF3800  }
0xb8: {  	[hbm4b:s28+s2] =	stream.linear.scatter [tilespmem:s13], [sflag:$0x3], $0xC800, $0x38;
	[tilespmem:$0x1A200] =	vst v63  }
0xb9: {  	_ =	swait.ge [sflag:s12], $0xC800  }
0xba: {  	[sflag:s12] =	ssyncset.done $0x0  }
0xbb: {  	[sflag:s12] =	ssyncadd.s32 $0xFFFF3800  }
0xbc: {  	[tilespmem:s6], [sflag:$0x1] =	stream.indirect.gather [spmem:s1], $0x80, s16, s10, $0xb8;
	[tilespmem:$0x1A200] =	vst v63  }
0xbd: {  	_ =	swait.ge [sflag:s9], $0xC800  }
0xbe: {  	[sflag:s9] =	ssyncset.done $0x0  }
0xbf: {  	s28 =	rddreg [dreg:$0x10];
	[sflag:s9] =	ssyncadd.s32 $0xFFFF3800  }
0xc0: {  	[hbm4b:s28+s2] =	stream.linear.scatter [tilespmem:s6], [sflag:$0x2], $0xC800, $0x38;
	[tilespmem:$0x1A200] =	vst v63  }
0xc1: {  	_ =	swait.ge [sflag:s7], $0xC800  }
0xc2: {  	[sflag:s7] =	ssyncset.done $0x0  }
0xc3: {  	[sflag:s7] =	ssyncadd.s32 $0xFFFF3800  }
0xc4: {  	[tilespmem:s13], [sflag:$0x1] =	stream.indirect.gather [spmem:s1], $0x80, s15, s10, $0xb8;
	[tilespmem:$0x1A200] =	vst v63  }
0xc5: {  	_ =	swait.ge [sflag:s9], $0xC800  }
0xc6: {  	[sflag:s9] =	ssyncset.done $0x0  }
0xc7: {  	s28 =	rddreg [dreg:$0x11];
	[sflag:s9] =	ssyncadd.s32 $0xFFFF3800  }
0xc8: {  	[hbm4b:s28+s2] =	stream.linear.scatter [tilespmem:s13], [sflag:$0x3], $0xC800, $0x38;
	[tilespmem:$0x1A200] =	vst v63  }
0xc9: {  	_ =	swait.ge [sflag:s12], $0xC800  }
0xca: {  	[sflag:s12] =	ssyncset.done $0x0  }
0xcb: {  	[sflag:s12] =	ssyncadd.s32 $0xFFFF3800  }
0xcc: {  	[tilespmem:s6], [sflag:$0x1] =	stream.indirect.gather [spmem:s1], $0x80, s14, s10, $0xb8;
	[tilespmem:$0x1A200] =	vst v63  }
0xcd: {  	_ =	swait.ge [sflag:s9], $0xC800  }
0xce: {  	[sflag:s9] =	ssyncset.done $0x0  }
0xcf: {  	s28 =	rddreg [dreg:$0x12];
	[sflag:s9] =	ssyncadd.s32 $0xFFFF3800  }
0xd0: {  	[hbm4b:s28+s2] =	stream.linear.scatter [tilespmem:s6], [sflag:$0x2], $0xC800, $0x38;
	[tilespmem:$0x1A200] =	vst v63  }
0xd1: {  	_ =	swait.ge [sflag:s7], $0xC800  }
0xd2: {  	[sflag:s7] =	ssyncset.done $0x0  }
0xd3: {  	[sflag:s7] =	ssyncadd.s32 $0xFFFF3800  }
0xd4: {  	[tilespmem:s13], [sflag:$0x1] =	stream.indirect.gather [spmem:s1], $0x80, s11, s10, $0xb8;
	[tilespmem:$0x1A200] =	vst v63  }
0xd5: {  	_ =	swait.ge [sflag:s9], $0xC800  }
0xd6: {  	[sflag:s9] =	ssyncset.done $0x0  }
0xd7: {  	[sflag:s9] =	ssyncadd.s32 $0xFFFF3800  }
0xd8: {  	[hbm4b:s5+s2] =	stream.linear.scatter [tilespmem:s13], [sflag:$0x3], $0xC800, $0x38;
	[tilespmem:$0x1A200] =	vst v63  }
0xd9: {  	_ =	swait.ge [sflag:s12], $0xC800  }
0xda: {  	[sflag:s12] =	ssyncset.done $0x0  }
0xdb: {  	[sflag:s12] =	ssyncadd.s32 $0xFFFF3800  }
0xdc: {  	[tilespmem:s6], [sflag:$0x1] =	stream.indirect.gather [spmem:s1], $0x80, s8, s10, $0xb8;
	[tilespmem:$0x1A200] =	vst v63  }
0xdd: {  	_ =	swait.ge [sflag:s9], $0xC800  }
0xde: {  	[sflag:s9] =	ssyncset.done $0x0  }
0xdf: {  	[sflag:s9] =	ssyncadd.s32 $0xFFFF3800  }
0xe0: {  	[hbm4b:s4+s2] =	stream.linear.scatter [tilespmem:s6], [sflag:$0x2], $0xC800, $0x38;
	[tilespmem:$0x1A200] =	vst v63  }
0xe1: {  	_ =	swait.ge [sflag:s7], $0xC800  }
0xe2: {  	[sflag:s7] =	ssyncset.done $0x0  }
0xe3: {  	s21 =	simm.s32 @!p1 $0x190;
	[sflag:s7] =	ssyncadd.s32 $0xFFFF3800  }
0xe4: {  	[tilespmem:s29], [sflag:$0x1] =	stream.indirect.gather @!p1 [spmem:s1], $0x80, s25, s21, $0xb8;
	[tilespmem:$0x1A200] =	vst v63  }
0xe5: {  	_ =	swait.ge @!p1 [sflag:s26], $0xC800  }
0xe6: {  	s0 =	sadd.s32 $0xFFFFFFFF, s0;
	[sflag:s26] =	ssyncset.done @!p1 $0x0  }
0xe7: {  	p3 =	sne.s32 s0, $0x0;
	[sflag:s26] =	ssyncadd.s32 @!p1 $0xFFFF3800  }
0xe8: {  	[hbm4b:s3+s24] =	stream.linear.scatter @!p1 [tilespmem:s29], [sflag:$0x3], $0xC800, $0x38;
	[tilespmem:$0x1A200] =	vst v63  }
.Ltmp2:
0xe9: {  	_ =	swait.ge @!p1 [sflag:s31], $0xC800;
	(pc) =	sbr.rel @p3 .LBB2_4-.Ltmp2, $4  }
0xea: {  	[sflag:s31] =	ssyncset.done @!p1 $0x0  }
0xeb: {  	[sflag:s31] =	ssyncadd.s32 @!p1 $0xFFFF3800  }
0xec: {  	_ =	swait.ge [sflag:s30], $0xC800  }
0xed: {  	s21 =	rddreg [dreg:$0x5];
	[sflag:s30] =	ssyncset.done $0x0  }
0xee: {  	s23 =	rddreg [dreg:$0x4]  }
.LBB2_6:
0xef: {  	[sflag:s30] =	ssyncadd.s32 @p2 $0xFFFF3800;
	s0 =	simm.s32 @!p0 $0x1C04;
	s22 =	simm.s32 @!p0 $0x4  }
0xf0: {  	[spmem:s20], [sflag:s0] =	dma.local @!p0 [hbm:s21], $0x400  }
0xf1: {  	_ =	swait.ge @!p0 [sflag:s22], $0x400  }
0xf2: {  	[sflag:s22] =	ssyncset.done @!p0 $0x0  }
0xf3: {  	s30 =	rddreg [dreg:$0x6];
	[sflag:s22] =	ssyncadd.s32 @!p0 $0xFFFFFC00  }
0xf4: {  	[tilespmem:s18], [sflag:$0x4] =	stream.linear.gather [hbm4b:s30+s2], $0x190, $0x38;
	[tilespmem:$0x1A200] =	vst v63  }
0xf5: {  	_ =	swait.ge [sflag:s19], $0x190  }
0xf6: {  	[sflag:s19] =	ssyncset.done $0x0  }
0xf7: {  	s31 =	rddreg [dreg:$0x7];
	[sflag:s19] =	ssyncadd.s32 $0xFFFFFE70  }
0xf8: {  	[tilespmem:s17], [sflag:$0x4] =	stream.linear.gather [hbm4b:s31+s2], $0x190, $0x38;
	[tilespmem:$0x1A200] =	vst v63  }
0xf9: {  	_ =	swait.ge [sflag:s19], $0x190  }
0xfa: {  	[sflag:s19] =	ssyncset.done $0x0  }
0xfb: {  	s20 =	rddreg [dreg:$0x8];
	[sflag:s19] =	ssyncadd.s32 $0xFFFFFE70  }
0xfc: {  	[tilespmem:s16], [sflag:$0x4] =	stream.linear.gather [hbm4b:s20+s2], $0x190, $0x38;
	[tilespmem:$0x1A200] =	vst v63  }
0xfd: {  	_ =	swait.ge [sflag:s19], $0x190  }
0xfe: {  	[sflag:s19] =	ssyncset.done $0x0  }
0xff: {  	s21 =	rddreg [dreg:$0x9];
	[sflag:s19] =	ssyncadd.s32 $0xFFFFFE70  }
0x100: {  	[tilespmem:s15], [sflag:$0x4] =	stream.linear.gather [hbm4b:s21+s2], $0x190, $0x38;
	[tilespmem:$0x1A200] =	vst v63  }
0x101: {  	_ =	swait.ge [sflag:s19], $0x190  }
0x102: {  	[sflag:s19] =	ssyncset.done $0x0  }
0x103: {  	s22 =	rddreg [dreg:$0xa];
	[sflag:s19] =	ssyncadd.s32 $0xFFFFFE70  }
0x104: {  	[tilespmem:s14], [sflag:$0x4] =	stream.linear.gather [hbm4b:s22+s2], $0x190, $0x38;
	[tilespmem:$0x1A200] =	vst v63  }
0x105: {  	_ =	swait.ge [sflag:s19], $0x190  }
0x106: {  	[sflag:s19] =	ssyncset.done $0x0  }
0x107: {  	s24 =	rddreg [dreg:$0xb];
	[sflag:s19] =	ssyncadd.s32 $0xFFFFFE70  }
0x108: {  	[tilespmem:s11], [sflag:$0x4] =	stream.linear.gather [hbm4b:s24+s2], $0x190, $0x38;
	[tilespmem:$0x1A200] =	vst v63  }
0x109: {  	_ =	swait.ge [sflag:s19], $0x190  }
0x10a: {  	[sflag:s19] =	ssyncset.done $0x0  }
0x10b: {  	s25 =	rddreg [dreg:$0xc];
	[sflag:s19] =	ssyncadd.s32 $0xFFFFFE70  }
0x10c: {  	[tilespmem:s8], [sflag:$0x4] =	stream.linear.gather [hbm4b:s25+s2], $0x190, $0x38;
	[tilespmem:$0x1A200] =	vst v63  }
0x10d: {  	_ =	swait.ge [sflag:s19], $0x190  }
0x10e: {  	s0 =	simm.s32 @!p1 $0x0;
	s21 =	simm.s32 @!p1 $0x4;
	[sflag:s19] =	ssyncset.done $0x0  }
0x10f: {  	s20 =	rddreg [dreg:$0xd];
	[sflag:s19] =	ssyncadd.s32 $0xFFFFFE70;
	s19 =	simm.s32 @!p1 $0x1000  }
0x110: {  	[tilespmem:s19], [sflag:$0x4] =	stream.linear.gather @!p1 [hbm4b:s20+s0], $0x190, $0x38;
	[tilespmem:$0x1A200] =	vst v63  }
0x111: {  	_ =	swait.ge @!p1 [sflag:s21], $0x190  }
0x112: {  	[sflag:s21] =	ssyncset.done @!p1 $0x0  }
0x113: {  	[sflag:s21] =	ssyncadd.s32 @!p1 $0xFFFFFE70  }
0x114: {  	[bflag:$0x0] =	sbarrier.arrive $0xFFFF  }
0x115: {  	[tilespmem:s6], [sflag:$0x1] =	stream.indirect.gather [spmem:s1], $0x80, s18, s10, $0xb8;
	[tilespmem:$0x1A200] =	vst v63  }
0x116: {  	_ =	swait.ge [sflag:s9], $0xC800  }
0x117: {  	[sflag:s9] =	ssyncset.done $0x0  }
0x118: {  	s26 =	rddreg [dreg:$0xe];
	[sflag:s9] =	ssyncadd.s32 $0xFFFF3800  }
0x119: {  	[hbm4b:s26+s2] =	stream.linear.scatter [tilespmem:s6], [sflag:$0x2], $0xC800, $0x38;
	[tilespmem:$0x1A200] =	vst v63  }
0x11a: {  	_ = 	snop  }
0x11b: {  	[tilespmem:s13], [sflag:$0x1] =	stream.indirect.gather [spmem:s1], $0x80, s17, s10, $0xb8;
	[tilespmem:$0x1A200] =	vst v63  }
0x11c: {  	_ =	swait.ge [sflag:s9], $0xC800  }
0x11d: {  	[sflag:s9] =	ssyncset.done $0x0  }
0x11e: {  	s28 =	rddreg [dreg:$0xf];
	[sflag:s9] =	ssyncadd.s32 $0xFFFF3800  }
0x11f: {  	[hbm4b:s28+s2] =	stream.linear.scatter [tilespmem:s13], [sflag:$0x3], $0xC800, $0x38;
	[tilespmem:$0x1A200] =	vst v63  }
0x120: {  	_ =	swait.ge [sflag:s12], $0xC800  }
0x121: {  	[sflag:s12] =	ssyncset.done $0x0  }
0x122: {  	[sflag:s12] =	ssyncadd.s32 $0xFFFF3800  }
0x123: {  	[tilespmem:s6], [sflag:$0x1] =	stream.indirect.gather [spmem:s1], $0x80, s16, s10, $0xb8;
	[tilespmem:$0x1A200] =	vst v63  }
0x124: {  	_ =	swait.ge [sflag:s9], $0xC800  }
0x125: {  	[sflag:s9] =	ssyncset.done $0x0  }
0x126: {  	s29 =	rddreg [dreg:$0x10];
	[sflag:s9] =	ssyncadd.s32 $0xFFFF3800  }
0x127: {  	[hbm4b:s29+s2] =	stream.linear.scatter [tilespmem:s6], [sflag:$0x2], $0xC800, $0x38;
	[tilespmem:$0x1A200] =	vst v63  }
0x128: {  	_ =	swait.ge [sflag:s7], $0xC800  }
0x129: {  	[sflag:s7] =	ssyncset.done $0x0  }
0x12a: {  	[sflag:s7] =	ssyncadd.s32 $0xFFFF3800  }
0x12b: {  	[tilespmem:s13], [sflag:$0x1] =	stream.indirect.gather [spmem:s1], $0x80, s15, s10, $0xb8;
	[tilespmem:$0x1A200] =	vst v63  }
0x12c: {  	_ =	swait.ge [sflag:s9], $0xC800  }
0x12d: {  	[sflag:s9] =	ssyncset.done $0x0  }
0x12e: {  	s30 =	rddreg [dreg:$0x11];
	[sflag:s9] =	ssyncadd.s32 $0xFFFF3800  }
0x12f: {  	[hbm4b:s30+s2] =	stream.linear.scatter [tilespmem:s13], [sflag:$0x3], $0xC800, $0x38;
	[tilespmem:$0x1A200] =	vst v63  }
0x130: {  	_ =	swait.ge [sflag:s12], $0xC800  }
0x131: {  	[sflag:s12] =	ssyncset.done $0x0  }
0x132: {  	[sflag:s12] =	ssyncadd.s32 $0xFFFF3800  }
0x133: {  	[tilespmem:s6], [sflag:$0x1] =	stream.indirect.gather [spmem:s1], $0x80, s14, s10, $0xb8;
	[tilespmem:$0x1A200] =	vst v63  }
0x134: {  	_ =	swait.ge [sflag:s9], $0xC800  }
0x135: {  	[sflag:s9] =	ssyncset.done $0x0  }
0x136: {  	s31 =	rddreg [dreg:$0x12];
	[sflag:s9] =	ssyncadd.s32 $0xFFFF3800  }
0x137: {  	[hbm4b:s31+s2] =	stream.linear.scatter [tilespmem:s6], [sflag:$0x2], $0xC800, $0x38;
	[tilespmem:$0x1A200] =	vst v63  }
0x138: {  	_ =	swait.ge [sflag:s7], $0xC800  }
0x139: {  	[sflag:s7] =	ssyncset.done $0x0  }
0x13a: {  	[sflag:s7] =	ssyncadd.s32 $0xFFFF3800  }
0x13b: {  	[tilespmem:s13], [sflag:$0x1] =	stream.indirect.gather [spmem:s1], $0x80, s11, s10, $0xb8;
	[tilespmem:$0x1A200] =	vst v63  }
0x13c: {  	_ =	swait.ge [sflag:s9], $0xC800  }
0x13d: {  	[sflag:s9] =	ssyncset.done $0x0  }
0x13e: {  	[sflag:s9] =	ssyncadd.s32 $0xFFFF3800  }
0x13f: {  	[hbm4b:s5+s2] =	stream.linear.scatter [tilespmem:s13], [sflag:$0x3], $0xC800, $0x38;
	[tilespmem:$0x1A200] =	vst v63  }
0x140: {  	_ =	swait.ge [sflag:s12], $0xC800  }
0x141: {  	[sflag:s12] =	ssyncset.done $0x0  }
0x142: {  	[sflag:s12] =	ssyncadd.s32 $0xFFFF3800  }
0x143: {  	[tilespmem:s6], [sflag:$0x1] =	stream.indirect.gather [spmem:s1], $0x80, s8, s10, $0xb8;
	[tilespmem:$0x1A200] =	vst v63  }
0x144: {  	_ =	swait.ge [sflag:s9], $0xC800  }
0x145: {  	[sflag:s9] =	ssyncset.done $0x0  }
0x146: {  	[sflag:s9] =	ssyncadd.s32 $0xFFFF3800  }
0x147: {  	[hbm4b:s4+s2] =	stream.linear.scatter [tilespmem:s6], [sflag:$0x2], $0xC800, $0x38;
	[tilespmem:$0x1A200] =	vst v63  }
0x148: {  	_ =	swait.ge [sflag:s7], $0xC800  }
0x149: {  	s5 =	simm.s32 @!p1 $0xDA00;
	[sflag:s7] =	ssyncset.done $0x0  }
0x14a: {  	s2 =	simm.s32 @!p1 $0x1;
	s4 =	simm.s32 @!p1 $0x190;
	[sflag:s7] =	ssyncadd.s32 $0xFFFF3800  }
0x14b: {  	[tilespmem:s5], [sflag:$0x1] =	stream.indirect.gather @!p1 [spmem:s1], $0x80, s19, s4, $0xb8;
	[tilespmem:$0x1A200] =	vst v63  }
0x14c: {  	_ =	swait.ge @!p1 [sflag:s2], $0xC800  }
0x14d: {  	[sflag:s2] =	ssyncset.done @!p1 $0x0  }
0x14e: {  	s1 =	simm.s32 @!p1 $0x2;
	[sflag:s2] =	ssyncadd.s32 @!p1 $0xFFFF3800  }
0x14f: {  	[hbm4b:s3+s0] =	stream.linear.scatter @!p1 [tilespmem:s5], [sflag:$0x3], $0xC800, $0x38;
	[tilespmem:$0x1A200] =	vst v63  }
0x150: {  	_ =	swait.ge @!p1 [sflag:s1], $0xC800  }
0x151: {  	s0 =	simm.s32 @!p1 $0x3;
	[sflag:s1] =	ssyncset.done @!p1 $0x0  }
0x152: {  	s0 =	simm.s32 @p1 $0x2;
	[sflag:s1] =	ssyncadd.s32 @!p1 $0xFFFF3800  }
0x153: {  	_ =	swait.ge [sflag:s0], $0xC800  }
0x154: {  	[sflag:s0] =	ssyncset.done $0x0  }
0x155: {  	[sflag:s0] =	ssyncadd.s32 $0xFFFF3800  }
0x156: {  	_ =	sfence.sel $0x180000  }
0x157: {  	[bflag:$0x0] =	sbarrier.arrive $0xFFFF  }
0x158: {  	_ =	strace $0x90000047  }
0x159: {  	s0 =	sadd.s32 @!p0 $0x100000, s23;
	[bflag:$0x2] =	sbarrier.arrive $0xFFFF  }
0x15a: {  	[sflag:s0] =	ssyncadd.tile.s32 @!p0 $0x1;
	_ =	shalt  }
.LBB2_1:
.Ltmp3:
0x15b: {  	(pc) =	sbr.rel .LBB2_6-.Ltmp3, $2  }
0x15c: {  	_ =	sdelay $0x2  }
0x15d: {  	_ = 	snop  }
.LBB2_3:
.Ltmp4:
0x15e: {  	(pc) =	sbr.rel .LBB2_6-.Ltmp4, $2  }
0x15f: {  	_ =	sdelay $0x2  }
0x160: {  	s23 =	rddreg [dreg:$0x4]  }
.Lfunc_end2:
_tile_overlayer_lowered:
.L_overlay_start_2:
0x161: {  	(tag) =	ssettag $0x2  }
0x162: {  	s0 =	rddreg [dreg:$0x0];
	s2 =	stileid.u32  }
0x163: {  	s1 =	rddreg [dreg:$0x1];
	p0 =	sne.s32 s2, $0x0  }
0x164: {  	s3 =	rddreg [dreg:$0x2];
	[bflag:$0x3] =	sbarrier.arrive $0xFFFF;
	s2 =	simm.s32 @!p0 $0x1C04  }
0x165: {  	[timem:s3], [sflag:s2] =	dma.local @!p0 [hbm:s0], s1  }
0x166: {  	s0 =	simm.s32 @!p0 $0x4  }
0x167: {  	_ =	swait.ge @!p0 [sflag:s0], s1  }
0x168: {  	s1 =	ssub.s32 @!p0 $0x0, s1;
	[sflag:s0] =	ssyncset.done @!p0 $0x0  }
0x169: {  	[sflag:s0] =	ssyncadd.s32 @!p0 s1  }
0x16a: {  	[bflag:$0x3] =	sbarrier.arrive $0xFFFF  }
0x16b: {  	_ =	shalt  }

</sc_bundles>
